<compile_context>
chip_gen: v7x
topology: tpu7x:2x2x1
jax: 0.10.2.dev20260603
libtpu: 0.0.44.dev20260713+nightly
codegen_flags: <defaults>
</compile_context>

<pallas_src>
import jax
import jax.numpy as jnp
from jax import lax
from jax.experimental import pallas as pl
from jax.experimental.pallas import tpu as pltpu
from jax.experimental.pallas import tpu_sc as plsc

N_NODES = 10000
NUM_REL = 8
D = 128
DH = D // 2

NC = 2
NS = 16
E_TOTAL = 320000
EPT = E_TOTAL // NS
K = 80
C = EPT // K
N_PAD = 10240
RPT = N_PAD // NS
ZC = 128


def _transform_body(x_ref, w_ref, comp_ref, h_ref):
    r = pl.program_id(1)
    rows = lax.broadcasted_iota(jnp.int32, (NUM_REL, NUM_REL), 0)
    scale = jnp.sum(jnp.where(rows == r, comp_ref[...], 0.0))
    h_ref[...] = jnp.dot(x_ref[...], w_ref[0, 0],
                         preferred_element_type=jnp.float32) * scale


def _transform(x, weight_split, comp):
    nb = 10
    bn = N_NODES // nb
    return pl.pallas_call(
        _transform_body,
        grid=(nb, NUM_REL, NC),
        in_specs=[
            pl.BlockSpec((bn, D), lambda i, r, c: (i, 0)),
            pl.BlockSpec((1, 1, D, DH), lambda i, r, c: (r, c, 0, 0)),
            pl.BlockSpec((NUM_REL, NUM_REL), lambda i, r, c: (0, 0)),
        ],
        out_specs=pl.BlockSpec((bn, DH),
                               lambda i, r, c: (c * NUM_REL * nb + r * nb + i, 0)),
        out_shape=jax.ShapeDtypeStruct((NC * NUM_REL * N_NODES, DH), jnp.float32),
    )(x, weight_split, comp)


def _sc_body(h_hbm, et_hbm, col_hbm, row_hbm, out_hbm,
             a_v, b_v, rows_v, zb_v, acc, sem):
    cid = lax.axis_index("c")
    sid = lax.axis_index("s")

    pltpu.sync_copy(et_hbm.at[sid], a_v)
    pltpu.sync_copy(col_hbm.at[sid], b_v)

    goff = cid * NUM_REL * N_NODES
    def g_body(j, carry):
        for i in range(K // 16):
            s = pl.ds(i * 16, 16)
            a_v[j, s] = a_v[j, s] * N_NODES + b_v[j, s] + goff
        return carry
    lax.fori_loop(0, C, g_body, 0)

    pltpu.sync_copy(row_hbm.at[sid], b_v)

    def zb_body(j, carry):
        for i in range(DH // 16):
            zb_v[j, pl.ds(i * 16, 16)] = jnp.zeros((16,), jnp.float32)
        return carry
    lax.fori_loop(0, ZC, zb_body, 0)
    base = sid * RPT
    for z in range(RPT // ZC):
        pltpu.sync_copy(zb_v, acc.at[pl.ds(base + z * ZC, ZC)])

    plsc.subcore_barrier()

    def m_body(j, carry):
        pltpu.async_copy(h_hbm.at[a_v.at[j]], rows_v, sem).wait()
        pltpu.sync_copy(rows_v, acc.at[b_v.at[j]], add=True)
        return carry
    lax.fori_loop(0, C, m_body, 0)

    plsc.subcore_barrier()

    for z in range(RPT // ZC):
        s = pl.ds(base + z * ZC, ZC)
        pltpu.sync_copy(acc.at[s], out_hbm.at[cid, s])


def _sc_scatter(h, et, col, row):
    mesh = plsc.VectorSubcoreMesh(core_axis_name="c", subcore_axis_name="s",
                                  num_cores=NC, num_subcores=NS)
    f = pl.kernel(
        _sc_body,
        out_type=jax.ShapeDtypeStruct((NC, N_PAD, DH), jnp.float32),
        mesh=mesh,
        scratch_types=[
            pltpu.VMEM((C, K), jnp.int32),
            pltpu.VMEM((C, K), jnp.int32),
            pltpu.VMEM((K, DH), jnp.float32),
            pltpu.VMEM((ZC, DH), jnp.float32),
            pltpu.VMEM_SHARED((N_PAD, DH), jnp.float32),
            pltpu.SemaphoreType.DMA,
        ],
        compiler_params=pltpu.CompilerParams(use_tc_tiling_on_sc=False),
    )
    return f(h, et, col, row)


def _combine_body(p_ref, b_ref, o_ref):
    full = jnp.concatenate([p_ref[0], p_ref[1]], axis=1)
    o_ref[...] = jnp.maximum(full + b_ref[...], 0.0)


def _combine(partial, bias2d):
    nb = 10
    bn = N_NODES // nb
    return pl.pallas_call(
        _combine_body,
        grid=(nb,),
        in_specs=[
            pl.BlockSpec((NC, bn, DH), lambda i: (0, i, 0)),
            pl.BlockSpec((1, D), lambda i: (0, 0)),
        ],
        out_specs=pl.BlockSpec((bn, D), lambda i: (i, 0)),
        out_shape=jax.ShapeDtypeStruct((N_NODES, D), jnp.float32),
    )(partial, bias2d)


def kernel(x, edge_index, edge_type, weight, comp, bias):
    row = edge_index[0].reshape(NS, C, K)
    col = edge_index[1].reshape(NS, C, K)
    et = edge_type.reshape(NS, C, K)
    w_split = weight.reshape(NUM_REL, D, NC, DH).transpose(0, 2, 1, 3)
    h = _transform(x, w_split, comp)
    partial = _sc_scatter(h, et, col, row)
    return _combine(partial, bias.reshape(1, D))

# --- scband reference (transcript-rebuilt; emitter-appended) ---
"""Pipeline reference for scband-relation-graph-conv-56573309223578 (READ-ONLY COPY).

The authoritative reference and input builder live on the scoring server;
editing this copy changes nothing except your own understanding.
"""

import jax, jax.numpy as jnp
import numpy as np

N = 10000
E = 320000
D_IN = 128
D_OUT = 128
R = 8  # num_relations
B = 8  # num_bases (min(8, R))


def setup_inputs(seed: int = 0) -> dict:
    key = jax.random.key(seed)
    k1, k2, k3, k4, k5 = jax.random.split(key, 5)
    x = jax.random.normal(k1, (N, D_IN), dtype=jnp.float32)
    edge_index = jax.random.randint(k2, (2, E), 0, N, dtype=jnp.int32)
    edge_type = jax.random.randint(k3, (E,), 0, R, dtype=jnp.int32)
    # xavier_uniform for weight [B, in, out]: torch fan_in = in*out, fan_out = B*out
    fan_in_w = D_IN * D_OUT
    fan_out_w = B * D_OUT
    bw = float(np.sqrt(6.0 / (fan_in_w + fan_out_w)))
    weight = jax.random.uniform(k4, (B, D_IN, D_OUT), dtype=jnp.float32, minval=-bw, maxval=bw)
    # xavier_uniform for comp [R, B]: fan_in = B, fan_out = R
    bc = float(np.sqrt(6.0 / (B + R)))
    comp = jax.random.uniform(k5, (R, B), dtype=jnp.float32, minval=-bc, maxval=bc)
    bias = jnp.zeros((D_OUT,), dtype=jnp.float32)
    return {"x": x, "edge_index": edge_index, "edge_type": edge_type,
            "weight": weight, "comp": comp, "bias": bias}


def reference(x, edge_index, edge_type, weight, comp, bias):
    # Faithful to the torch module: einsum 'rb,rio->rio' scales weight[r] by sum_b comp[r, b]
    weight_eff = jnp.einsum('rb,rio->rio', comp, weight)
    row = edge_index[0]
    col = edge_index[1]
    out = jnp.zeros((x.shape[0], D_OUT), dtype=x.dtype)
    for rel in range(R):
        mask = (edge_type == rel)
        # messages = x[col] @ weight_eff[rel]; equivalently transform once then gather
        h = x @ weight_eff[rel]
        msg = jnp.where(mask[:, None], h[col], jnp.zeros((), dtype=x.dtype))
        out = out.at[row].add(msg)
    out = out + bias
    out = jax.nn.relu(out)
    return out


if False:  # reference __main__ guard neutralized (emitter)
    inp = setup_inputs()
    y = reference(**inp)
    print(y.shape, y.dtype)

if __name__ == "__main__":
    import jax
    _d = setup_inputs()
    print(jax.jit(kernel)(*tuple(_d.values())))

</pallas_src>

<mosaic_0001>
#map = affine_map<(d0, d1) -> (0, 0)>
#map1 = affine_map<(d0, d1) -> (0, 0, 0)>
module attributes {stable_mosaic.version = 14 : i64} {
  func.func @_sc_body(%arg0: i32, %arg1: i32, %arg2: memref<160000x64xf32, #tpu.memory_space<hbm>>, %arg3: memref<16x250x80xi32, #tpu.memory_space<hbm>>, %arg4: memref<16x250x80xi32, #tpu.memory_space<hbm>>, %arg5: memref<16x250x80xi32, #tpu.memory_space<hbm>>, %arg6: memref<2x10240x64xf32, #tpu.memory_space<hbm>>, %arg7: memref<250x80xi32, #tpu.memory_space<vmem>>, %arg8: memref<250x80xi32, #tpu.memory_space<vmem>>, %arg9: memref<80x64xf32, #tpu.memory_space<vmem>>, %arg10: memref<128x64xf32, #tpu.memory_space<vmem>>, %arg11: memref<10240x64xf32, #tpu.memory_space<vmem_shared>>, %arg12: memref<!tpu.dma_semaphore, #tpu.memory_space<semaphore_mem>>) attributes {dimension_semantics = [#tpu.dimension_semantics<core_parallel>, #tpu.dimension_semantics<subcore_parallel>], iteration_bounds = array<i64: 2, 16>, scalar_prefetch = 0 : i64, scratch_operands = 6 : i64, tpu.core_type = #tpu.core_type<sc_vector_subcore>, window_params = [{transform_indices = #map}, {transform_indices = #map1}, {transform_indices = #map1}, {transform_indices = #map1}, {transform_indices = #map1}]} {
    "tpu.region"() ({
      %run_scoped3A = tpu.sem_alloc : memref<!tpu.dma_semaphore, #tpu.memory_space<semaphore_mem>>
      %dma_start3A = arith.constant 0 : i32
      %dma_start3A_42 = arith.constant 0 : i32
      %dma_start3A_43 = tpu.memref_slice %arg3[%arg1, %dma_start3A, %dma_start3A_42] : memref<16x250x80xi32, #tpu.memory_space<hbm>> -> memref<1x250x80xi32, #tpu.memory_space<hbm>>
      %dma_start3A_44 = tpu.memref_squeeze %dma_start3A_43 : memref<1x250x80xi32, #tpu.memory_space<hbm>> -> memref<250x80xi32, #tpu.memory_space<hbm>>
      %dma_start3A_45 = arith.constant 0 : i32
      %dma_start3A_46 = arith.constant 0 : i32
      %dma_start3A_47 = tpu.memref_slice %arg3[%arg1, %dma_start3A_45, %dma_start3A_46] : memref<16x250x80xi32, #tpu.memory_space<hbm>> -> memref<1x250x80xi32, #tpu.memory_space<hbm>>
      %dma_start3A_48 = tpu.memref_squeeze %dma_start3A_47 : memref<1x250x80xi32, #tpu.memory_space<hbm>> -> memref<250x80xi32, #tpu.memory_space<hbm>>
      tpu.enqueue_dma source(%dma_start3A_48 : memref<250x80xi32, #tpu.memory_space<hbm>>) target(%arg7 : memref<250x80xi32, #tpu.memory_space<vmem>>) target_semaphore(%run_scoped3A : memref<!tpu.dma_semaphore, #tpu.memory_space<semaphore_mem>>)
      %dma_wait3A = arith.constant 0 : i32
      %dma_wait3A_49 = arith.constant 0 : i32
      %dma_wait3A_50 = tpu.memref_slice %arg3[%arg1, %dma_wait3A, %dma_wait3A_49] : memref<16x250x80xi32, #tpu.memory_space<hbm>> -> memref<1x250x80xi32, #tpu.memory_space<hbm>>
      %dma_wait3A_51 = tpu.memref_squeeze %dma_wait3A_50 : memref<1x250x80xi32, #tpu.memory_space<hbm>> -> memref<250x80xi32, #tpu.memory_space<hbm>>
      %dma_wait3A_52 = arith.constant 0 : i32
      %dma_wait3A_53 = arith.constant 0 : i32
      %dma_wait3A_54 = tpu.memref_slice %arg3[%arg1, %dma_wait3A_52, %dma_wait3A_53] : memref<16x250x80xi32, #tpu.memory_space<hbm>> -> memref<1x250x80xi32, #tpu.memory_space<hbm>>
      %dma_wait3A_55 = tpu.memref_squeeze %dma_wait3A_54 : memref<1x250x80xi32, #tpu.memory_space<hbm>> -> memref<250x80xi32, #tpu.memory_space<hbm>>
      tpu.wait_dma2 semaphore(%run_scoped3A : memref<!tpu.dma_semaphore, #tpu.memory_space<semaphore_mem>>) src(%dma_wait3A_55 : memref<250x80xi32, #tpu.memory_space<hbm>>) dst(%arg7 : memref<250x80xi32, #tpu.memory_space<vmem>>)
      tpu.yield
    }) : () -> ()
    "tpu.region"() ({
      %run_scoped3A = tpu.sem_alloc : memref<!tpu.dma_semaphore, #tpu.memory_space<semaphore_mem>>
      %dma_start3A = arith.constant 0 : i32
      %dma_start3A_42 = arith.constant 0 : i32
      %dma_start3A_43 = tpu.memref_slice %arg4[%arg1, %dma_start3A, %dma_start3A_42] : memref<16x250x80xi32, #tpu.memory_space<hbm>> -> memref<1x250x80xi32, #tpu.memory_space<hbm>>
      %dma_start3A_44 = tpu.memref_squeeze %dma_start3A_43 : memref<1x250x80xi32, #tpu.memory_space<hbm>> -> memref<250x80xi32, #tpu.memory_space<hbm>>
      %dma_start3A_45 = arith.constant 0 : i32
      %dma_start3A_46 = arith.constant 0 : i32
      %dma_start3A_47 = tpu.memref_slice %arg4[%arg1, %dma_start3A_45, %dma_start3A_46] : memref<16x250x80xi32, #tpu.memory_space<hbm>> -> memref<1x250x80xi32, #tpu.memory_space<hbm>>
      %dma_start3A_48 = tpu.memref_squeeze %dma_start3A_47 : memref<1x250x80xi32, #tpu.memory_space<hbm>> -> memref<250x80xi32, #tpu.memory_space<hbm>>
      tpu.enqueue_dma source(%dma_start3A_48 : memref<250x80xi32, #tpu.memory_space<hbm>>) target(%arg8 : memref<250x80xi32, #tpu.memory_space<vmem>>) target_semaphore(%run_scoped3A : memref<!tpu.dma_semaphore, #tpu.memory_space<semaphore_mem>>)
      %dma_wait3A = arith.constant 0 : i32
      %dma_wait3A_49 = arith.constant 0 : i32
      %dma_wait3A_50 = tpu.memref_slice %arg4[%arg1, %dma_wait3A, %dma_wait3A_49] : memref<16x250x80xi32, #tpu.memory_space<hbm>> -> memref<1x250x80xi32, #tpu.memory_space<hbm>>
      %dma_wait3A_51 = tpu.memref_squeeze %dma_wait3A_50 : memref<1x250x80xi32, #tpu.memory_space<hbm>> -> memref<250x80xi32, #tpu.memory_space<hbm>>
      %dma_wait3A_52 = arith.constant 0 : i32
      %dma_wait3A_53 = arith.constant 0 : i32
      %dma_wait3A_54 = tpu.memref_slice %arg4[%arg1, %dma_wait3A_52, %dma_wait3A_53] : memref<16x250x80xi32, #tpu.memory_space<hbm>> -> memref<1x250x80xi32, #tpu.memory_space<hbm>>
      %dma_wait3A_55 = tpu.memref_squeeze %dma_wait3A_54 : memref<1x250x80xi32, #tpu.memory_space<hbm>> -> memref<250x80xi32, #tpu.memory_space<hbm>>
      tpu.wait_dma2 semaphore(%run_scoped3A : memref<!tpu.dma_semaphore, #tpu.memory_space<semaphore_mem>>) src(%dma_wait3A_55 : memref<250x80xi32, #tpu.memory_space<hbm>>) dst(%arg8 : memref<250x80xi32, #tpu.memory_space<vmem>>)
      tpu.yield
    }) : () -> ()
    %mul3A = arith.constant 8 : i32
    %mul3A_0 = arith.muli %arg0, %mul3A : i32
    %mul3A_1 = arith.constant 10000 : i32
    %mul3A_2 = arith.muli %mul3A_0, %mul3A_1 : i32
    %scan3A = arith.constant 0 : i32
    %scan3A_3 = arith.constant 0 : i32
    %scan3A_4 = arith.constant 250 : i32
    %scan3A_5 = arith.addi %scan3A_3, %scan3A_4 : i32
    %scan3A_6 = arith.constant 1 : i32
    scf.for %scan3A_42 = %scan3A_3 to %scan3A_5 step %scan3A_6  : i32 {
      %get3A = arith.index_cast %scan3A_42 : i32 to index
      %get3A_43 = arith.constant 0 : index
      %get3A_44 = tpu.vector_load %arg7[%get3A, %get3A_43] {strides = array<i32>} : memref<250x80xi32, #tpu.memory_space<vmem>>, vector<1x16xi32>,
      %get3A_45 = vector.shape_cast %get3A_44 : vector<1x16xi32> to vector<16xi32>
      %mul3A_46 = arith.constant 10000 : i32
      %mul3A_47 = vector.broadcast %mul3A_46 : i32 to vector<16xi32>
      %mul3A_48 = arith.muli %get3A_45, %mul3A_47 : vector<16xi32>
      %get3A_49 = arith.index_cast %scan3A_42 : i32 to index
      %get3A_50 = arith.constant 0 : index
      %get3A_51 = tpu.vector_load %arg8[%get3A_49, %get3A_50] {strides = array<i32>} : memref<250x80xi32, #tpu.memory_space<vmem>>, vector<1x16xi32>,
      %get3A_52 = vector.shape_cast %get3A_51 : vector<1x16xi32> to vector<16xi32>
      %add3A_53 = arith.addi %mul3A_48, %get3A_52 : vector<16xi32>
      %add3A_54 = vector.broadcast %mul3A_2 : i32 to vector<16xi32>
      %add3A_55 = arith.addi %add3A_53, %add3A_54 : vector<16xi32>
      %swap3A = arith.index_cast %scan3A_42 : i32 to index
      %swap3A_56 = arith.constant 0 : index
      %swap3A_57 = tpu.vector_load %arg7[%swap3A, %swap3A_56] {strides = array<i32>} : memref<250x80xi32, #tpu.memory_space<vmem>>, vector<1x16xi32>,
      %swap3A_58 = vector.shape_cast %swap3A_57 : vector<1x16xi32> to vector<16xi32>
      %swap3A_59 = vector.shape_cast %add3A_55 : vector<16xi32> to vector<1x16xi32>
      tpu.vector_store %arg7[%swap3A, %swap3A_56], %swap3A_59 {strides = array<i32>} : memref<250x80xi32, #tpu.memory_space<vmem>>, vector<1x16xi32>,
      %get3A_60 = arith.index_cast %scan3A_42 : i32 to index
      %get3A_61 = arith.constant 16 : index
      %get3A_62 = tpu.vector_load %arg7[%get3A_60, %get3A_61] {strides = array<i32>} : memref<250x80xi32, #tpu.memory_space<vmem>>, vector<1x16xi32>,
      %get3A_63 = vector.shape_cast %get3A_62 : vector<1x16xi32> to vector<16xi32>
      %mul3A_64 = arith.constant 10000 : i32
      %mul3A_65 = vector.broadcast %mul3A_64 : i32 to vector<16xi32>
      %mul3A_66 = arith.muli %get3A_63, %mul3A_65 : vector<16xi32>
      %get3A_67 = arith.index_cast %scan3A_42 : i32 to index
      %get3A_68 = arith.constant 16 : index
      %get3A_69 = tpu.vector_load %arg8[%get3A_67, %get3A_68] {strides = array<i32>} : memref<250x80xi32, #tpu.memory_space<vmem>>, vector<1x16xi32>,
      %get3A_70 = vector.shape_cast %get3A_69 : vector<1x16xi32> to vector<16xi32>
      %add3A_71 = arith.addi %mul3A_66, %get3A_70 : vector<16xi32>
      %add3A_72 = vector.broadcast %mul3A_2 : i32 to vector<16xi32>
      %add3A_73 = arith.addi %add3A_71, %add3A_72 : vector<16xi32>
      %swap3A_74 = arith.index_cast %scan3A_42 : i32 to index
      %swap3A_75 = arith.constant 16 : index
      %swap3A_76 = tpu.vector_load %arg7[%swap3A_74, %swap3A_75] {strides = array<i32>} : memref<250x80xi32, #tpu.memory_space<vmem>>, vector<1x16xi32>,
      %swap3A_77 = vector.shape_cast %swap3A_76 : vector<1x16xi32> to vector<16xi32>
      %swap3A_78 = vector.shape_cast %add3A_73 : vector<16xi32> to vector<1x16xi32>
      tpu.vector_store %arg7[%swap3A_74, %swap3A_75], %swap3A_78 {strides = array<i32>} : memref<250x80xi32, #tpu.memory_space<vmem>>, vector<1x16xi32>,
      %get3A_79 = arith.index_cast %scan3A_42 : i32 to index
      %get3A_80 = arith.constant 32 : index
      %get3A_81 = tpu.vector_load %arg7[%get3A_79, %get3A_80] {strides = array<i32>} : memref<250x80xi32, #tpu.memory_space<vmem>>, vector<1x16xi32>,
      %get3A_82 = vector.shape_cast %get3A_81 : vector<1x16xi32> to vector<16xi32>
      %mul3A_83 = arith.constant 10000 : i32
      %mul3A_84 = vector.broadcast %mul3A_83 : i32 to vector<16xi32>
      %mul3A_85 = arith.muli %get3A_82, %mul3A_84 : vector<16xi32>
      %get3A_86 = arith.index_cast %scan3A_42 : i32 to index
      %get3A_87 = arith.constant 32 : index
      %get3A_88 = tpu.vector_load %arg8[%get3A_86, %get3A_87] {strides = array<i32>} : memref<250x80xi32, #tpu.memory_space<vmem>>, vector<1x16xi32>,
      %get3A_89 = vector.shape_cast %get3A_88 : vector<1x16xi32> to vector<16xi32>
      %add3A_90 = arith.addi %mul3A_85, %get3A_89 : vector<16xi32>
      %add3A_91 = vector.broadcast %mul3A_2 : i32 to vector<16xi32>
      %add3A_92 = arith.addi %add3A_90, %add3A_91 : vector<16xi32>
      %swap3A_93 = arith.index_cast %scan3A_42 : i32 to index
      %swap3A_94 = arith.constant 32 : index
      %swap3A_95 = tpu.vector_load %arg7[%swap3A_93, %swap3A_94] {strides = array<i32>} : memref<250x80xi32, #tpu.memory_space<vmem>>, vector<1x16xi32>,
      %swap3A_96 = vector.shape_cast %swap3A_95 : vector<1x16xi32> to vector<16xi32>
      %swap3A_97 = vector.shape_cast %add3A_92 : vector<16xi32> to vector<1x16xi32>
      tpu.vector_store %arg7[%swap3A_93, %swap3A_94], %swap3A_97 {strides = array<i32>} : memref<250x80xi32, #tpu.memory_space<vmem>>, vector<1x16xi32>,
      %get3A_98 = arith.index_cast %scan3A_42 : i32 to index
      %get3A_99 = arith.constant 48 : index
      %get3A_100 = tpu.vector_load %arg7[%get3A_98, %get3A_99] {strides = array<i32>} : memref<250x80xi32, #tpu.memory_space<vmem>>, vector<1x16xi32>,
      %get3A_101 = vector.shape_cast %get3A_100 : vector<1x16xi32> to vector<16xi32>
      %mul3A_102 = arith.constant 10000 : i32
      %mul3A_103 = vector.broadcast %mul3A_102 : i32 to vector<16xi32>
      %mul3A_104 = arith.muli %get3A_101, %mul3A_103 : vector<16xi32>
      %get3A_105 = arith.index_cast %scan3A_42 : i32 to index
      %get3A_106 = arith.constant 48 : index
      %get3A_107 = tpu.vector_load %arg8[%get3A_105, %get3A_106] {strides = array<i32>} : memref<250x80xi32, #tpu.memory_space<vmem>>, vector<1x16xi32>,
      %get3A_108 = vector.shape_cast %get3A_107 : vector<1x16xi32> to vector<16xi32>
      %add3A_109 = arith.addi %mul3A_104, %get3A_108 : vector<16xi32>
      %add3A_110 = vector.broadcast %mul3A_2 : i32 to vector<16xi32>
      %add3A_111 = arith.addi %add3A_109, %add3A_110 : vector<16xi32>
      %swap3A_112 = arith.index_cast %scan3A_42 : i32 to index
      %swap3A_113 = arith.constant 48 : index
      %swap3A_114 = tpu.vector_load %arg7[%swap3A_112, %swap3A_113] {strides = array<i32>} : memref<250x80xi32, #tpu.memory_space<vmem>>, vector<1x16xi32>,
      %swap3A_115 = vector.shape_cast %swap3A_114 : vector<1x16xi32> to vector<16xi32>
      %swap3A_116 = vector.shape_cast %add3A_111 : vector<16xi32> to vector<1x16xi32>
      tpu.vector_store %arg7[%swap3A_112, %swap3A_113], %swap3A_116 {strides = array<i32>} : memref<250x80xi32, #tpu.memory_space<vmem>>, vector<1x16xi32>,
      %get3A_117 = arith.index_cast %scan3A_42 : i32 to index
      %get3A_118 = arith.constant 64 : index
      %get3A_119 = tpu.vector_load %arg7[%get3A_117, %get3A_118] {strides = array<i32>} : memref<250x80xi32, #tpu.memory_space<vmem>>, vector<1x16xi32>,
      %get3A_120 = vector.shape_cast %get3A_119 : vector<1x16xi32> to vector<16xi32>
      %mul3A_121 = arith.constant 10000 : i32
      %mul3A_122 = vector.broadcast %mul3A_121 : i32 to vector<16xi32>
      %mul3A_123 = arith.muli %get3A_120, %mul3A_122 : vector<16xi32>
      %get3A_124 = arith.index_cast %scan3A_42 : i32 to index
      %get3A_125 = arith.constant 64 : index
      %get3A_126 = tpu.vector_load %arg8[%get3A_124, %get3A_125] {strides = array<i32>} : memref<250x80xi32, #tpu.memory_space<vmem>>, vector<1x16xi32>,
      %get3A_127 = vector.shape_cast %get3A_126 : vector<1x16xi32> to vector<16xi32>
      %add3A_128 = arith.addi %mul3A_123, %get3A_127 : vector<16xi32>
      %add3A_129 = vector.broadcast %mul3A_2 : i32 to vector<16xi32>
      %add3A_130 = arith.addi %add3A_128, %add3A_129 : vector<16xi32>
      %swap3A_131 = arith.index_cast %scan3A_42 : i32 to index
      %swap3A_132 = arith.constant 64 : index
      %swap3A_133 = tpu.vector_load %arg7[%swap3A_131, %swap3A_132] {strides = array<i32>} : memref<250x80xi32, #tpu.memory_space<vmem>>, vector<1x16xi32>,
      %swap3A_134 = vector.shape_cast %swap3A_133 : vector<1x16xi32> to vector<16xi32>
      %swap3A_135 = vector.shape_cast %add3A_130 : vector<16xi32> to vector<1x16xi32>
      tpu.vector_store %arg7[%swap3A_131, %swap3A_132], %swap3A_135 {strides = array<i32>} : memref<250x80xi32, #tpu.memory_space<vmem>>, vector<1x16xi32>,
    }
    %scan3A_7 = arith.constant 250 : i32
    "tpu.region"() ({
      %run_scoped3A = tpu.sem_alloc : memref<!tpu.dma_semaphore, #tpu.memory_space<semaphore_mem>>
      %dma_start3A = arith.constant 0 : i32
      %dma_start3A_42 = arith.constant 0 : i32
      %dma_start3A_43 = tpu.memref_slice %arg5[%arg1, %dma_start3A, %dma_start3A_42] : memref<16x250x80xi32, #tpu.memory_space<hbm>> -> memref<1x250x80xi32, #tpu.memory_space<hbm>>
      %dma_start3A_44 = tpu.memref_squeeze %dma_start3A_43 : memref<1x250x80xi32, #tpu.memory_space<hbm>> -> memref<250x80xi32, #tpu.memory_space<hbm>>
      %dma_start3A_45 = arith.constant 0 : i32
      %dma_start3A_46 = arith.constant 0 : i32
      %dma_start3A_47 = tpu.memref_slice %arg5[%arg1, %dma_start3A_45, %dma_start3A_46] : memref<16x250x80xi32, #tpu.memory_space<hbm>> -> memref<1x250x80xi32, #tpu.memory_space<hbm>>
      %dma_start3A_48 = tpu.memref_squeeze %dma_start3A_47 : memref<1x250x80xi32, #tpu.memory_space<hbm>> -> memref<250x80xi32, #tpu.memory_space<hbm>>
      tpu.enqueue_dma source(%dma_start3A_48 : memref<250x80xi32, #tpu.memory_space<hbm>>) target(%arg8 : memref<250x80xi32, #tpu.memory_space<vmem>>) target_semaphore(%run_scoped3A : memref<!tpu.dma_semaphore, #tpu.memory_space<semaphore_mem>>)
      %dma_wait3A = arith.constant 0 : i32
      %dma_wait3A_49 = arith.constant 0 : i32
      %dma_wait3A_50 = tpu.memref_slice %arg5[%arg1, %dma_wait3A, %dma_wait3A_49] : memref<16x250x80xi32, #tpu.memory_space<hbm>> -> memref<1x250x80xi32, #tpu.memory_space<hbm>>
      %dma_wait3A_51 = tpu.memref_squeeze %dma_wait3A_50 : memref<1x250x80xi32, #tpu.memory_space<hbm>> -> memref<250x80xi32, #tpu.memory_space<hbm>>
      %dma_wait3A_52 = arith.constant 0 : i32
      %dma_wait3A_53 = arith.constant 0 : i32
      %dma_wait3A_54 = tpu.memref_slice %arg5[%arg1, %dma_wait3A_52, %dma_wait3A_53] : memref<16x250x80xi32, #tpu.memory_space<hbm>> -> memref<1x250x80xi32, #tpu.memory_space<hbm>>
      %dma_wait3A_55 = tpu.memref_squeeze %dma_wait3A_54 : memref<1x250x80xi32, #tpu.memory_space<hbm>> -> memref<250x80xi32, #tpu.memory_space<hbm>>
      tpu.wait_dma2 semaphore(%run_scoped3A : memref<!tpu.dma_semaphore, #tpu.memory_space<semaphore_mem>>) src(%dma_wait3A_55 : memref<250x80xi32, #tpu.memory_space<hbm>>) dst(%arg8 : memref<250x80xi32, #tpu.memory_space<vmem>>)
      tpu.yield
    }) : () -> ()
    %scan3A_8 = arith.constant 0 : i32
    %scan3A_9 = arith.constant 0 : i32
    %scan3A_10 = arith.constant 128 : i32
    %scan3A_11 = arith.addi %scan3A_9, %scan3A_10 : i32
    %scan3A_12 = arith.constant 1 : i32
    scf.for %scan3A_42 = %scan3A_9 to %scan3A_11 step %scan3A_12  : i32 {
      %broadcast_in_dim3A = arith.constant 0.000000e+00 : f32
      %broadcast_in_dim3A_43 = vector.broadcast %broadcast_in_dim3A : f32 to vector<16xf32>
      %swap3A = arith.index_cast %scan3A_42 : i32 to index
      %swap3A_44 = arith.constant 0 : index
      %swap3A_45 = tpu.vector_load %arg10[%swap3A, %swap3A_44] {strides = array<i32>} : memref<128x64xf32, #tpu.memory_space<vmem>>, vector<1x16xf32>,
      %swap3A_46 = vector.shape_cast %swap3A_45 : vector<1x16xf32> to vector<16xf32>
      %swap3A_47 = vector.shape_cast %broadcast_in_dim3A_43 : vector<16xf32> to vector<1x16xf32>
      tpu.vector_store %arg10[%swap3A, %swap3A_44], %swap3A_47 {strides = array<i32>} : memref<128x64xf32, #tpu.memory_space<vmem>>, vector<1x16xf32>,
      %broadcast_in_dim3A_48 = arith.constant 0.000000e+00 : f32
      %broadcast_in_dim3A_49 = vector.broadcast %broadcast_in_dim3A_48 : f32 to vector<16xf32>
      %swap3A_50 = arith.index_cast %scan3A_42 : i32 to index
      %swap3A_51 = arith.constant 16 : index
      %swap3A_52 = tpu.vector_load %arg10[%swap3A_50, %swap3A_51] {strides = array<i32>} : memref<128x64xf32, #tpu.memory_space<vmem>>, vector<1x16xf32>,
      %swap3A_53 = vector.shape_cast %swap3A_52 : vector<1x16xf32> to vector<16xf32>
      %swap3A_54 = vector.shape_cast %broadcast_in_dim3A_49 : vector<16xf32> to vector<1x16xf32>
      tpu.vector_store %arg10[%swap3A_50, %swap3A_51], %swap3A_54 {strides = array<i32>} : memref<128x64xf32, #tpu.memory_space<vmem>>, vector<1x16xf32>,
      %broadcast_in_dim3A_55 = arith.constant 0.000000e+00 : f32
      %broadcast_in_dim3A_56 = vector.broadcast %broadcast_in_dim3A_55 : f32 to vector<16xf32>
      %swap3A_57 = arith.index_cast %scan3A_42 : i32 to index
      %swap3A_58 = arith.constant 32 : index
      %swap3A_59 = tpu.vector_load %arg10[%swap3A_57, %swap3A_58] {strides = array<i32>} : memref<128x64xf32, #tpu.memory_space<vmem>>, vector<1x16xf32>,
      %swap3A_60 = vector.shape_cast %swap3A_59 : vector<1x16xf32> to vector<16xf32>
      %swap3A_61 = vector.shape_cast %broadcast_in_dim3A_56 : vector<16xf32> to vector<1x16xf32>
      tpu.vector_store %arg10[%swap3A_57, %swap3A_58], %swap3A_61 {strides = array<i32>} : memref<128x64xf32, #tpu.memory_space<vmem>>, vector<1x16xf32>,
      %broadcast_in_dim3A_62 = arith.constant 0.000000e+00 : f32
      %broadcast_in_dim3A_63 = vector.broadcast %broadcast_in_dim3A_62 : f32 to vector<16xf32>
      %swap3A_64 = arith.index_cast %scan3A_42 : i32 to index
      %swap3A_65 = arith.constant 48 : index
      %swap3A_66 = tpu.vector_load %arg10[%swap3A_64, %swap3A_65] {strides = array<i32>} : memref<128x64xf32, #tpu.memory_space<vmem>>, vector<1x16xf32>,
      %swap3A_67 = vector.shape_cast %swap3A_66 : vector<1x16xf32> to vector<16xf32>
      %swap3A_68 = vector.shape_cast %broadcast_in_dim3A_63 : vector<16xf32> to vector<1x16xf32>
      tpu.vector_store %arg10[%swap3A_64, %swap3A_65], %swap3A_68 {strides = array<i32>} : memref<128x64xf32, #tpu.memory_space<vmem>>, vector<1x16xf32>,
    }
    %scan3A_13 = arith.constant 128 : i32
    %mul3A_14 = arith.constant 640 : i32
    %mul3A_15 = arith.muli %arg1, %mul3A_14 : i32
    %add3A = arith.constant 0 : i32
    %add3A_16 = arith.addi %mul3A_15, %add3A : i32
    "tpu.region"() ({
      %run_scoped3A = tpu.sem_alloc : memref<!tpu.dma_semaphore, #tpu.memory_space<semaphore_mem>>
      %dma_start3A = arith.constant 0 : i32
      %dma_start3A_42 = tpu.memref_slice %arg11[%add3A_16, %dma_start3A] : memref<10240x64xf32, #tpu.memory_space<vmem_shared>> -> memref<128x64xf32, #tpu.memory_space<vmem_shared>>
      %dma_start3A_43 = arith.constant 0 : i32
      %dma_start3A_44 = tpu.memref_slice %arg11[%add3A_16, %dma_start3A_43] : memref<10240x64xf32, #tpu.memory_space<vmem_shared>> -> memref<128x64xf32, #tpu.memory_space<vmem_shared>>
      tpu.enqueue_dma source(%arg10 : memref<128x64xf32, #tpu.memory_space<vmem>>) target(%dma_start3A_44 : memref<128x64xf32, #tpu.memory_space<vmem_shared>>) target_semaphore(%run_scoped3A : memref<!tpu.dma_semaphore, #tpu.memory_space<semaphore_mem>>)
      %dma_wait3A = arith.constant 0 : i32
      %dma_wait3A_45 = tpu.memref_slice %arg11[%add3A_16, %dma_wait3A] : memref<10240x64xf32, #tpu.memory_space<vmem_shared>> -> memref<128x64xf32, #tpu.memory_space<vmem_shared>>
      %dma_wait3A_46 = arith.constant 0 : i32
      %dma_wait3A_47 = tpu.memref_slice %arg11[%add3A_16, %dma_wait3A_46] : memref<10240x64xf32, #tpu.memory_space<vmem_shared>> -> memref<128x64xf32, #tpu.memory_space<vmem_shared>>
      tpu.wait_dma2 semaphore(%run_scoped3A : memref<!tpu.dma_semaphore, #tpu.memory_space<semaphore_mem>>) src(%arg10 : memref<128x64xf32, #tpu.memory_space<vmem>>) dst(%dma_wait3A_47 : memref<128x64xf32, #tpu.memory_space<vmem_shared>>)
      tpu.yield
    }) : () -> ()
    %add3A_17 = arith.constant 128 : i32
    %add3A_18 = arith.addi %mul3A_15, %add3A_17 : i32
    "tpu.region"() ({
      %run_scoped3A = tpu.sem_alloc : memref<!tpu.dma_semaphore, #tpu.memory_space<semaphore_mem>>
      %dma_start3A = arith.constant 0 : i32
      %dma_start3A_42 = tpu.memref_slice %arg11[%add3A_18, %dma_start3A] : memref<10240x64xf32, #tpu.memory_space<vmem_shared>> -> memref<128x64xf32, #tpu.memory_space<vmem_shared>>
      %dma_start3A_43 = arith.constant 0 : i32
      %dma_start3A_44 = tpu.memref_slice %arg11[%add3A_18, %dma_start3A_43] : memref<10240x64xf32, #tpu.memory_space<vmem_shared>> -> memref<128x64xf32, #tpu.memory_space<vmem_shared>>
      tpu.enqueue_dma source(%arg10 : memref<128x64xf32, #tpu.memory_space<vmem>>) target(%dma_start3A_44 : memref<128x64xf32, #tpu.memory_space<vmem_shared>>) target_semaphore(%run_scoped3A : memref<!tpu.dma_semaphore, #tpu.memory_space<semaphore_mem>>)
      %dma_wait3A = arith.constant 0 : i32
      %dma_wait3A_45 = tpu.memref_slice %arg11[%add3A_18, %dma_wait3A] : memref<10240x64xf32, #tpu.memory_space<vmem_shared>> -> memref<128x64xf32, #tpu.memory_space<vmem_shared>>
      %dma_wait3A_46 = arith.constant 0 : i32
      %dma_wait3A_47 = tpu.memref_slice %arg11[%add3A_18, %dma_wait3A_46] : memref<10240x64xf32, #tpu.memory_space<vmem_shared>> -> memref<128x64xf32, #tpu.memory_space<vmem_shared>>
      tpu.wait_dma2 semaphore(%run_scoped3A : memref<!tpu.dma_semaphore, #tpu.memory_space<semaphore_mem>>) src(%arg10 : memref<128x64xf32, #tpu.memory_space<vmem>>) dst(%dma_wait3A_47 : memref<128x64xf32, #tpu.memory_space<vmem_shared>>)
      tpu.yield
    }) : () -> ()
    %add3A_19 = arith.constant 256 : i32
    %add3A_20 = arith.addi %mul3A_15, %add3A_19 : i32
    "tpu.region"() ({
      %run_scoped3A = tpu.sem_alloc : memref<!tpu.dma_semaphore, #tpu.memory_space<semaphore_mem>>
      %dma_start3A = arith.constant 0 : i32
      %dma_start3A_42 = tpu.memref_slice %arg11[%add3A_20, %dma_start3A] : memref<10240x64xf32, #tpu.memory_space<vmem_shared>> -> memref<128x64xf32, #tpu.memory_space<vmem_shared>>
      %dma_start3A_43 = arith.constant 0 : i32
      %dma_start3A_44 = tpu.memref_slice %arg11[%add3A_20, %dma_start3A_43] : memref<10240x64xf32, #tpu.memory_space<vmem_shared>> -> memref<128x64xf32, #tpu.memory_space<vmem_shared>>
      tpu.enqueue_dma source(%arg10 : memref<128x64xf32, #tpu.memory_space<vmem>>) target(%dma_start3A_44 : memref<128x64xf32, #tpu.memory_space<vmem_shared>>) target_semaphore(%run_scoped3A : memref<!tpu.dma_semaphore, #tpu.memory_space<semaphore_mem>>)
      %dma_wait3A = arith.constant 0 : i32
      %dma_wait3A_45 = tpu.memref_slice %arg11[%add3A_20, %dma_wait3A] : memref<10240x64xf32, #tpu.memory_space<vmem_shared>> -> memref<128x64xf32, #tpu.memory_space<vmem_shared>>
      %dma_wait3A_46 = arith.constant 0 : i32
      %dma_wait3A_47 = tpu.memref_slice %arg11[%add3A_20, %dma_wait3A_46] : memref<10240x64xf32, #tpu.memory_space<vmem_shared>> -> memref<128x64xf32, #tpu.memory_space<vmem_shared>>
      tpu.wait_dma2 semaphore(%run_scoped3A : memref<!tpu.dma_semaphore, #tpu.memory_space<semaphore_mem>>) src(%arg10 : memref<128x64xf32, #tpu.memory_space<vmem>>) dst(%dma_wait3A_47 : memref<128x64xf32, #tpu.memory_space<vmem_shared>>)
      tpu.yield
    }) : () -> ()
    %add3A_21 = arith.constant 384 : i32
    %add3A_22 = arith.addi %mul3A_15, %add3A_21 : i32
    "tpu.region"() ({
      %run_scoped3A = tpu.sem_alloc : memref<!tpu.dma_semaphore, #tpu.memory_space<semaphore_mem>>
      %dma_start3A = arith.constant 0 : i32
      %dma_start3A_42 = tpu.memref_slice %arg11[%add3A_22, %dma_start3A] : memref<10240x64xf32, #tpu.memory_space<vmem_shared>> -> memref<128x64xf32, #tpu.memory_space<vmem_shared>>
      %dma_start3A_43 = arith.constant 0 : i32
      %dma_start3A_44 = tpu.memref_slice %arg11[%add3A_22, %dma_start3A_43] : memref<10240x64xf32, #tpu.memory_space<vmem_shared>> -> memref<128x64xf32, #tpu.memory_space<vmem_shared>>
      tpu.enqueue_dma source(%arg10 : memref<128x64xf32, #tpu.memory_space<vmem>>) target(%dma_start3A_44 : memref<128x64xf32, #tpu.memory_space<vmem_shared>>) target_semaphore(%run_scoped3A : memref<!tpu.dma_semaphore, #tpu.memory_space<semaphore_mem>>)
      %dma_wait3A = arith.constant 0 : i32
      %dma_wait3A_45 = tpu.memref_slice %arg11[%add3A_22, %dma_wait3A] : memref<10240x64xf32, #tpu.memory_space<vmem_shared>> -> memref<128x64xf32, #tpu.memory_space<vmem_shared>>
      %dma_wait3A_46 = arith.constant 0 : i32
      %dma_wait3A_47 = tpu.memref_slice %arg11[%add3A_22, %dma_wait3A_46] : memref<10240x64xf32, #tpu.memory_space<vmem_shared>> -> memref<128x64xf32, #tpu.memory_space<vmem_shared>>
      tpu.wait_dma2 semaphore(%run_scoped3A : memref<!tpu.dma_semaphore, #tpu.memory_space<semaphore_mem>>) src(%arg10 : memref<128x64xf32, #tpu.memory_space<vmem>>) dst(%dma_wait3A_47 : memref<128x64xf32, #tpu.memory_space<vmem_shared>>)
      tpu.yield
    }) : () -> ()
    %add3A_23 = arith.constant 512 : i32
    %add3A_24 = arith.addi %mul3A_15, %add3A_23 : i32
    "tpu.region"() ({
      %run_scoped3A = tpu.sem_alloc : memref<!tpu.dma_semaphore, #tpu.memory_space<semaphore_mem>>
      %dma_start3A = arith.constant 0 : i32
      %dma_start3A_42 = tpu.memref_slice %arg11[%add3A_24, %dma_start3A] : memref<10240x64xf32, #tpu.memory_space<vmem_shared>> -> memref<128x64xf32, #tpu.memory_space<vmem_shared>>
      %dma_start3A_43 = arith.constant 0 : i32
      %dma_start3A_44 = tpu.memref_slice %arg11[%add3A_24, %dma_start3A_43] : memref<10240x64xf32, #tpu.memory_space<vmem_shared>> -> memref<128x64xf32, #tpu.memory_space<vmem_shared>>
      tpu.enqueue_dma source(%arg10 : memref<128x64xf32, #tpu.memory_space<vmem>>) target(%dma_start3A_44 : memref<128x64xf32, #tpu.memory_space<vmem_shared>>) target_semaphore(%run_scoped3A : memref<!tpu.dma_semaphore, #tpu.memory_space<semaphore_mem>>)
      %dma_wait3A = arith.constant 0 : i32
      %dma_wait3A_45 = tpu.memref_slice %arg11[%add3A_24, %dma_wait3A] : memref<10240x64xf32, #tpu.memory_space<vmem_shared>> -> memref<128x64xf32, #tpu.memory_space<vmem_shared>>
      %dma_wait3A_46 = arith.constant 0 : i32
      %dma_wait3A_47 = tpu.memref_slice %arg11[%add3A_24, %dma_wait3A_46] : memref<10240x64xf32, #tpu.memory_space<vmem_shared>> -> memref<128x64xf32, #tpu.memory_space<vmem_shared>>
      tpu.wait_dma2 semaphore(%run_scoped3A : memref<!tpu.dma_semaphore, #tpu.memory_space<semaphore_mem>>) src(%arg10 : memref<128x64xf32, #tpu.memory_space<vmem>>) dst(%dma_wait3A_47 : memref<128x64xf32, #tpu.memory_space<vmem_shared>>)
      tpu.yield
    }) : () -> ()
    %barrier3A = arith.constant 0 : index
    tpu.barrier barrier_id(%barrier3A)
    %scan3A_25 = arith.constant 0 : i32
    %scan3A_26 = arith.constant 0 : i32
    %scan3A_27 = arith.constant 250 : i32
    %scan3A_28 = arith.addi %scan3A_26, %scan3A_27 : i32
    %scan3A_29 = arith.constant 1 : i32
    scf.for %scan3A_42 = %scan3A_26 to %scan3A_28 step %scan3A_29  : i32 {
      %dma_start3A = arith.constant 0 : i32
      %dma_start3A_43 = tpu.memref_slice %arg7[%scan3A_42, %dma_start3A] : memref<250x80xi32, #tpu.memory_space<vmem>> -> memref<1x80xi32, #tpu.memory_space<vmem>>
      %dma_start3A_44 = tpu.memref_squeeze %dma_start3A_43 : memref<1x80xi32, #tpu.memory_space<vmem>> -> memref<80xi32, #tpu.memory_space<vmem>>
      %dma_start3A_45 = arith.constant 0 : i32
      %dma_start3A_46 = arith.constant 0 : i32
      %dma_start3A_47 = tpu.memref_slice %arg2[%dma_start3A_45, %dma_start3A_46] : memref<160000x64xf32, #tpu.memory_space<hbm>> -> memref<160000x64xf32, #tpu.memory_space<hbm>>
      tpu.enqueue_indirect_dma source(%dma_start3A_47 : memref<160000x64xf32, #tpu.memory_space<hbm>>) target(%arg9 : memref<80x64xf32, #tpu.memory_space<vmem>>) offsets(%dma_start3A_44 : memref<80xi32, #tpu.memory_space<vmem>>) semaphore(%arg12 : memref<!tpu.dma_semaphore, #tpu.memory_space<semaphore_mem>>)
      %dma_wait3A = arith.constant 0 : i32
      %dma_wait3A_48 = tpu.memref_slice %arg7[%scan3A_42, %dma_wait3A] : memref<250x80xi32, #tpu.memory_space<vmem>> -> memref<1x80xi32, #tpu.memory_space<vmem>>
      %dma_wait3A_49 = tpu.memref_squeeze %dma_wait3A_48 : memref<1x80xi32, #tpu.memory_space<vmem>> -> memref<80xi32, #tpu.memory_space<vmem>>
      %dma_wait3A_50 = arith.constant 0 : i32
      %dma_wait3A_51 = arith.constant 0 : i32
      %dma_wait3A_52 = tpu.memref_slice %arg2[%dma_wait3A_50, %dma_wait3A_51] : memref<160000x64xf32, #tpu.memory_space<hbm>> -> memref<160000x64xf32, #tpu.memory_space<hbm>>
      tpu.wait_indirect_dma semaphore(%arg12 : memref<!tpu.dma_semaphore, #tpu.memory_space<semaphore_mem>>) src(%dma_wait3A_52 : memref<160000x64xf32, #tpu.memory_space<hbm>>) dst(%arg9 : memref<80x64xf32, #tpu.memory_space<vmem>>)
      "tpu.region"() ({
        %run_scoped3A = tpu.sem_alloc : memref<!tpu.dma_semaphore, #tpu.memory_space<semaphore_mem>>
        %dma_start3A_53 = arith.constant 0 : i32
        %dma_start3A_54 = tpu.memref_slice %arg8[%scan3A_42, %dma_start3A_53] : memref<250x80xi32, #tpu.memory_space<vmem>> -> memref<1x80xi32, #tpu.memory_space<vmem>>
        %dma_start3A_55 = tpu.memref_squeeze %dma_start3A_54 : memref<1x80xi32, #tpu.memory_space<vmem>> -> memref<80xi32, #tpu.memory_space<vmem>>
        %dma_start3A_56 = arith.constant 0 : i32
        %dma_start3A_57 = arith.constant 0 : i32
        %dma_start3A_58 = tpu.memref_slice %arg11[%dma_start3A_56, %dma_start3A_57] : memref<10240x64xf32, #tpu.memory_space<vmem_shared>> -> memref<10240x64xf32, #tpu.memory_space<vmem_shared>>
        tpu.enqueue_indirect_dma source(%arg9 : memref<80x64xf32, #tpu.memory_space<vmem>>) target(%dma_start3A_58 : memref<10240x64xf32, #tpu.memory_space<vmem_shared>>) offsets(%dma_start3A_55 : memref<80xi32, #tpu.memory_space<vmem>>) semaphore(%run_scoped3A : memref<!tpu.dma_semaphore, #tpu.memory_space<semaphore_mem>>) {add = true}
        %dma_wait3A_59 = arith.constant 0 : i32
        %dma_wait3A_60 = tpu.memref_slice %arg8[%scan3A_42, %dma_wait3A_59] : memref<250x80xi32, #tpu.memory_space<vmem>> -> memref<1x80xi32, #tpu.memory_space<vmem>>
        %dma_wait3A_61 = tpu.memref_squeeze %dma_wait3A_60 : memref<1x80xi32, #tpu.memory_space<vmem>> -> memref<80xi32, #tpu.memory_space<vmem>>
        %dma_wait3A_62 = arith.constant 0 : i32
        %dma_wait3A_63 = arith.constant 0 : i32
        %dma_wait3A_64 = tpu.memref_slice %arg11[%dma_wait3A_62, %dma_wait3A_63] : memref<10240x64xf32, #tpu.memory_space<vmem_shared>> -> memref<10240x64xf32, #tpu.memory_space<vmem_shared>>
        tpu.wait_indirect_dma semaphore(%run_scoped3A : memref<!tpu.dma_semaphore, #tpu.memory_space<semaphore_mem>>) src(%arg9 : memref<80x64xf32, #tpu.memory_space<vmem>>) dst(%dma_wait3A_64 : memref<10240x64xf32, #tpu.memory_space<vmem_shared>>)
        tpu.yield
      }) : () -> ()
    }
    %scan3A_30 = arith.constant 250 : i32
    %barrier3A_31 = arith.constant 0 : index
    tpu.barrier barrier_id(%barrier3A_31)
    %add3A_32 = arith.constant 0 : i32
    %add3A_33 = arith.addi %mul3A_15, %add3A_32 : i32
    "tpu.region"() ({
      %run_scoped3A = tpu.sem_alloc : memref<!tpu.dma_semaphore, #tpu.memory_space<semaphore_mem>>
      %dma_start3A = arith.constant 0 : i32
      %dma_start3A_42 = tpu.memref_slice %arg6[%arg0, %add3A_33, %dma_start3A] : memref<2x10240x64xf32, #tpu.memory_space<hbm>> -> memref<1x128x64xf32, #tpu.memory_space<hbm>>
      %dma_start3A_43 = tpu.memref_squeeze %dma_start3A_42 : memref<1x128x64xf32, #tpu.memory_space<hbm>> -> memref<128x64xf32, #tpu.memory_space<hbm>>
      %dma_start3A_44 = arith.constant 0 : i32
      %dma_start3A_45 = tpu.memref_slice %arg11[%add3A_33, %dma_start3A_44] : memref<10240x64xf32, #tpu.memory_space<vmem_shared>> -> memref<128x64xf32, #tpu.memory_space<vmem_shared>>
      tpu.enqueue_dma source(%dma_start3A_45 : memref<128x64xf32, #tpu.memory_space<vmem_shared>>) target(%dma_start3A_43 : memref<128x64xf32, #tpu.memory_space<hbm>>) target_semaphore(%run_scoped3A : memref<!tpu.dma_semaphore, #tpu.memory_space<semaphore_mem>>)
      %dma_wait3A = arith.constant 0 : i32
      %dma_wait3A_46 = tpu.memref_slice %arg6[%arg0, %add3A_33, %dma_wait3A] : memref<2x10240x64xf32, #tpu.memory_space<hbm>> -> memref<1x128x64xf32, #tpu.memory_space<hbm>>
      %dma_wait3A_47 = tpu.memref_squeeze %dma_wait3A_46 : memref<1x128x64xf32, #tpu.memory_space<hbm>> -> memref<128x64xf32, #tpu.memory_space<hbm>>
      %dma_wait3A_48 = arith.constant 0 : i32
      %dma_wait3A_49 = tpu.memref_slice %arg11[%add3A_33, %dma_wait3A_48] : memref<10240x64xf32, #tpu.memory_space<vmem_shared>> -> memref<128x64xf32, #tpu.memory_space<vmem_shared>>
      tpu.wait_dma2 semaphore(%run_scoped3A : memref<!tpu.dma_semaphore, #tpu.memory_space<semaphore_mem>>) src(%dma_wait3A_49 : memref<128x64xf32, #tpu.memory_space<vmem_shared>>) dst(%dma_wait3A_47 : memref<128x64xf32, #tpu.memory_space<hbm>>)
      tpu.yield
    }) : () -> ()
    %add3A_34 = arith.constant 128 : i32
    %add3A_35 = arith.addi %mul3A_15, %add3A_34 : i32
    "tpu.region"() ({
      %run_scoped3A = tpu.sem_alloc : memref<!tpu.dma_semaphore, #tpu.memory_space<semaphore_mem>>
      %dma_start3A = arith.constant 0 : i32
      %dma_start3A_42 = tpu.memref_slice %arg6[%arg0, %add3A_35, %dma_start3A] : memref<2x10240x64xf32, #tpu.memory_space<hbm>> -> memref<1x128x64xf32, #tpu.memory_space<hbm>>
      %dma_start3A_43 = tpu.memref_squeeze %dma_start3A_42 : memref<1x128x64xf32, #tpu.memory_space<hbm>> -> memref<128x64xf32, #tpu.memory_space<hbm>>
      %dma_start3A_44 = arith.constant 0 : i32
      %dma_start3A_45 = tpu.memref_slice %arg11[%add3A_35, %dma_start3A_44] : memref<10240x64xf32, #tpu.memory_space<vmem_shared>> -> memref<128x64xf32, #tpu.memory_space<vmem_shared>>
      tpu.enqueue_dma source(%dma_start3A_45 : memref<128x64xf32, #tpu.memory_space<vmem_shared>>) target(%dma_start3A_43 : memref<128x64xf32, #tpu.memory_space<hbm>>) target_semaphore(%run_scoped3A : memref<!tpu.dma_semaphore, #tpu.memory_space<semaphore_mem>>)
      %dma_wait3A = arith.constant 0 : i32
      %dma_wait3A_46 = tpu.memref_slice %arg6[%arg0, %add3A_35, %dma_wait3A] : memref<2x10240x64xf32, #tpu.memory_space<hbm>> -> memref<1x128x64xf32, #tpu.memory_space<hbm>>
      %dma_wait3A_47 = tpu.memref_squeeze %dma_wait3A_46 : memref<1x128x64xf32, #tpu.memory_space<hbm>> -> memref<128x64xf32, #tpu.memory_space<hbm>>
      %dma_wait3A_48 = arith.constant 0 : i32
      %dma_wait3A_49 = tpu.memref_slice %arg11[%add3A_35, %dma_wait3A_48] : memref<10240x64xf32, #tpu.memory_space<vmem_shared>> -> memref<128x64xf32, #tpu.memory_space<vmem_shared>>
      tpu.wait_dma2 semaphore(%run_scoped3A : memref<!tpu.dma_semaphore, #tpu.memory_space<semaphore_mem>>) src(%dma_wait3A_49 : memref<128x64xf32, #tpu.memory_space<vmem_shared>>) dst(%dma_wait3A_47 : memref<128x64xf32, #tpu.memory_space<hbm>>)
      tpu.yield
    }) : () -> ()
    %add3A_36 = arith.constant 256 : i32
    %add3A_37 = arith.addi %mul3A_15, %add3A_36 : i32
    "tpu.region"() ({
      %run_scoped3A = tpu.sem_alloc : memref<!tpu.dma_semaphore, #tpu.memory_space<semaphore_mem>>
      %dma_start3A = arith.constant 0 : i32
      %dma_start3A_42 = tpu.memref_slice %arg6[%arg0, %add3A_37, %dma_start3A] : memref<2x10240x64xf32, #tpu.memory_space<hbm>> -> memref<1x128x64xf32, #tpu.memory_space<hbm>>
      %dma_start3A_43 = tpu.memref_squeeze %dma_start3A_42 : memref<1x128x64xf32, #tpu.memory_space<hbm>> -> memref<128x64xf32, #tpu.memory_space<hbm>>
      %dma_start3A_44 = arith.constant 0 : i32
      %dma_start3A_45 = tpu.memref_slice %arg11[%add3A_37, %dma_start3A_44] : memref<10240x64xf32, #tpu.memory_space<vmem_shared>> -> memref<128x64xf32, #tpu.memory_space<vmem_shared>>
      tpu.enqueue_dma source(%dma_start3A_45 : memref<128x64xf32, #tpu.memory_space<vmem_shared>>) target(%dma_start3A_43 : memref<128x64xf32, #tpu.memory_space<hbm>>) target_semaphore(%run_scoped3A : memref<!tpu.dma_semaphore, #tpu.memory_space<semaphore_mem>>)
      %dma_wait3A = arith.constant 0 : i32
      %dma_wait3A_46 = tpu.memref_slice %arg6[%arg0, %add3A_37, %dma_wait3A] : memref<2x10240x64xf32, #tpu.memory_space<hbm>> -> memref<1x128x64xf32, #tpu.memory_space<hbm>>
      %dma_wait3A_47 = tpu.memref_squeeze %dma_wait3A_46 : memref<1x128x64xf32, #tpu.memory_space<hbm>> -> memref<128x64xf32, #tpu.memory_space<hbm>>
      %dma_wait3A_48 = arith.constant 0 : i32
      %dma_wait3A_49 = tpu.memref_slice %arg11[%add3A_37, %dma_wait3A_48] : memref<10240x64xf32, #tpu.memory_space<vmem_shared>> -> memref<128x64xf32, #tpu.memory_space<vmem_shared>>
      tpu.wait_dma2 semaphore(%run_scoped3A : memref<!tpu.dma_semaphore, #tpu.memory_space<semaphore_mem>>) src(%dma_wait3A_49 : memref<128x64xf32, #tpu.memory_space<vmem_shared>>) dst(%dma_wait3A_47 : memref<128x64xf32, #tpu.memory_space<hbm>>)
      tpu.yield
    }) : () -> ()
    %add3A_38 = arith.constant 384 : i32
    %add3A_39 = arith.addi %mul3A_15, %add3A_38 : i32
    "tpu.region"() ({
      %run_scoped3A = tpu.sem_alloc : memref<!tpu.dma_semaphore, #tpu.memory_space<semaphore_mem>>
      %dma_start3A = arith.constant 0 : i32
      %dma_start3A_42 = tpu.memref_slice %arg6[%arg0, %add3A_39, %dma_start3A] : memref<2x10240x64xf32, #tpu.memory_space<hbm>> -> memref<1x128x64xf32, #tpu.memory_space<hbm>>
      %dma_start3A_43 = tpu.memref_squeeze %dma_start3A_42 : memref<1x128x64xf32, #tpu.memory_space<hbm>> -> memref<128x64xf32, #tpu.memory_space<hbm>>
      %dma_start3A_44 = arith.constant 0 : i32
      %dma_start3A_45 = tpu.memref_slice %arg11[%add3A_39, %dma_start3A_44] : memref<10240x64xf32, #tpu.memory_space<vmem_shared>> -> memref<128x64xf32, #tpu.memory_space<vmem_shared>>
      tpu.enqueue_dma source(%dma_start3A_45 : memref<128x64xf32, #tpu.memory_space<vmem_shared>>) target(%dma_start3A_43 : memref<128x64xf32, #tpu.memory_space<hbm>>) target_semaphore(%run_scoped3A : memref<!tpu.dma_semaphore, #tpu.memory_space<semaphore_mem>>)
      %dma_wait3A = arith.constant 0 : i32
      %dma_wait3A_46 = tpu.memref_slice %arg6[%arg0, %add3A_39, %dma_wait3A] : memref<2x10240x64xf32, #tpu.memory_space<hbm>> -> memref<1x128x64xf32, #tpu.memory_space<hbm>>
      %dma_wait3A_47 = tpu.memref_squeeze %dma_wait3A_46 : memref<1x128x64xf32, #tpu.memory_space<hbm>> -> memref<128x64xf32, #tpu.memory_space<hbm>>
      %dma_wait3A_48 = arith.constant 0 : i32
      %dma_wait3A_49 = tpu.memref_slice %arg11[%add3A_39, %dma_wait3A_48] : memref<10240x64xf32, #tpu.memory_space<vmem_shared>> -> memref<128x64xf32, #tpu.memory_space<vmem_shared>>
      tpu.wait_dma2 semaphore(%run_scoped3A : memref<!tpu.dma_semaphore, #tpu.memory_space<semaphore_mem>>) src(%dma_wait3A_49 : memref<128x64xf32, #tpu.memory_space<vmem_shared>>) dst(%dma_wait3A_47 : memref<128x64xf32, #tpu.memory_space<hbm>>)
      tpu.yield
    }) : () -> ()
    %add3A_40 = arith.constant 512 : i32
    %add3A_41 = arith.addi %mul3A_15, %add3A_40 : i32
    "tpu.region"() ({
      %run_scoped3A = tpu.sem_alloc : memref<!tpu.dma_semaphore, #tpu.memory_space<semaphore_mem>>
      %dma_start3A = arith.constant 0 : i32
      %dma_start3A_42 = tpu.memref_slice %arg6[%arg0, %add3A_41, %dma_start3A] : memref<2x10240x64xf32, #tpu.memory_space<hbm>> -> memref<1x128x64xf32, #tpu.memory_space<hbm>>
      %dma_start3A_43 = tpu.memref_squeeze %dma_start3A_42 : memref<1x128x64xf32, #tpu.memory_space<hbm>> -> memref<128x64xf32, #tpu.memory_space<hbm>>
      %dma_start3A_44 = arith.constant 0 : i32
      %dma_start3A_45 = tpu.memref_slice %arg11[%add3A_41, %dma_start3A_44] : memref<10240x64xf32, #tpu.memory_space<vmem_shared>> -> memref<128x64xf32, #tpu.memory_space<vmem_shared>>
      tpu.enqueue_dma source(%dma_start3A_45 : memref<128x64xf32, #tpu.memory_space<vmem_shared>>) target(%dma_start3A_43 : memref<128x64xf32, #tpu.memory_space<hbm>>) target_semaphore(%run_scoped3A : memref<!tpu.dma_semaphore, #tpu.memory_space<semaphore_mem>>)
      %dma_wait3A = arith.constant 0 : i32
      %dma_wait3A_46 = tpu.memref_slice %arg6[%arg0, %add3A_41, %dma_wait3A] : memref<2x10240x64xf32, #tpu.memory_space<hbm>> -> memref<1x128x64xf32, #tpu.memory_space<hbm>>
      %dma_wait3A_47 = tpu.memref_squeeze %dma_wait3A_46 : memref<1x128x64xf32, #tpu.memory_space<hbm>> -> memref<128x64xf32, #tpu.memory_space<hbm>>
      %dma_wait3A_48 = arith.constant 0 : i32
      %dma_wait3A_49 = tpu.memref_slice %arg11[%add3A_41, %dma_wait3A_48] : memref<10240x64xf32, #tpu.memory_space<vmem_shared>> -> memref<128x64xf32, #tpu.memory_space<vmem_shared>>
      tpu.wait_dma2 semaphore(%run_scoped3A : memref<!tpu.dma_semaphore, #tpu.memory_space<semaphore_mem>>) src(%dma_wait3A_49 : memref<128x64xf32, #tpu.memory_space<vmem_shared>>) dst(%dma_wait3A_47 : memref<128x64xf32, #tpu.memory_space<hbm>>)
      tpu.yield
    }) : () -> ()
    return
  }
}

module attributes {stable_mosaic.version = 14 : i64} {
  func.func @_transform_body(%arg0: i32, %arg1: i32, %arg2: i32, %arg3: memref<1000x128xf32, #tpu.memory_space<vmem>>, %arg4: memref<1x1x128x64xf32, #tpu.memory_space<vmem>>, %arg5: memref<8x8xf32, #tpu.memory_space<vmem>>, %arg6: memref<1000x64xf32, #tpu.memory_space<vmem>>) attributes {dimension_semantics = [#tpu.dimension_semantics<arbitrary>, #tpu.dimension_semantics<arbitrary>, #tpu.dimension_semantics<arbitrary>], iteration_bounds = array<i64: 10, 8, 2>, scalar_prefetch = 0 : i64, scratch_operands = 0 : i64, tpu.core_type = #tpu.core_type<tc>, window_params = [{transform_indices = @transform_0, window_bounds = array<i64: 1000, 128>}, {transform_indices = @transform_1, window_bounds = array<i64: 1, 1, 128, 64>}, {pipeline_mode = #tpu.pipeline_mode<synchronous>, transform_indices = @transform_2, window_bounds = array<i64: 8, 8>}, {transform_indices = @transform_3, window_bounds = array<i64: 1000, 64>}]} {
    %iota3A = tpu.iota {dimensions = array<i32: 0>} : vector<8x8xi32>
    %eq3A = vector.broadcast %arg1 : i32 to vector<8x8xi32>
    %eq3A_0 = arith.cmpi eq, %iota3A, %eq3A : vector<8x8xi32>
    %get3A = arith.constant 0 : index
    %get3A_1 = arith.constant 0 : index
    %get3A_2 = vector.load %arg5[%get3A, %get3A_1] : memref<8x8xf32, #tpu.memory_space<vmem>>, vector<8x8xf32>
    %jit3A = arith.constant 0.000000e+00 : f32
    %broadcast_in_dim3A = vector.broadcast %jit3A : f32 to vector<8x8xf32>
    %select_n3A = arith.select %eq3A_0, %get3A_2, %broadcast_in_dim3A : vector<8x8xi1>, vector<8x8xf32>
    %reduce_sum3A = vector.shape_cast %select_n3A : vector<8x8xf32> to vector<1x8x8xf32>
    %reduce_sum3A_3 = arith.constant dense<0.000000e+00> : vector<1xf32>
    %reduce_sum3A_4 = vector.multi_reduction <add>, %reduce_sum3A, %reduce_sum3A_3 [1, 2] : vector<1x8x8xf32> to vector<1xf32>
    %reduce_sum3A_5 = vector.shape_cast %reduce_sum3A_4 : vector<1xf32> to vector<1x1x1xf32>
    %reduce_sum3A_6 = vector.extract %reduce_sum3A_5[0, 0, 0] : f32 from vector<1x1x1xf32>
    %get3A_7 = arith.constant 0 : index
    %get3A_8 = arith.constant 0 : index
    %get3A_9 = vector.load %arg3[%get3A_7, %get3A_8] : memref<1000x128xf32, #tpu.memory_space<vmem>>, vector<1000x128xf32>
    %get3A_10 = arith.constant 0 : index
    %get3A_11 = arith.constant 0 : index
    %get3A_12 = arith.constant 0 : index
    %get3A_13 = arith.constant 0 : index
    %get3A_14 = vector.load %arg4[%get3A_10, %get3A_11, %get3A_12, %get3A_13] : memref<1x1x128x64xf32, #tpu.memory_space<vmem>>, vector<1x1x128x64xf32>
    %get3A_15 = vector.shape_cast %get3A_14 : vector<1x1x128x64xf32> to vector<128x64xf32>
    %dot_general3A = arith.constant dense<0.000000e+00> : vector<1000x64xf32>
    %dot_general3A_16 = tpu.matmul %get3A_9, %get3A_15, %dot_general3A {dimension_numbers = #tpu.dot_dimension_numbers<[1], [0], [0], [1], [0, 0, 1, 1], [], []>, transpose_lhs_hint = false} : vector<1000x128xf32>, vector<128x64xf32>, vector<1000x64xf32> -> vector<1000x64xf32>
    %mul3A = vector.broadcast %reduce_sum3A_6 : f32 to vector<1000x64xf32>
    %mul3A_17 = arith.mulf %dot_general3A_16, %mul3A : vector<1000x64xf32>
    %swap3A = arith.constant 0 : index
    %swap3A_18 = arith.constant 0 : index
    %swap3A_19 = vector.load %arg6[%swap3A, %swap3A_18] : memref<1000x64xf32, #tpu.memory_space<vmem>>, vector<1000x64xf32>
    tpu.vector_store %arg6[%swap3A, %swap3A_18], %mul3A_17 {strides = array<i32>} : memref<1000x64xf32, #tpu.memory_space<vmem>>, vector<1000x64xf32>,
    return
  }
  func.func @transform_0(%arg0: i32, %arg1: i32, %arg2: i32) -> (i32, i32) {
    %c0_i32 = arith.constant 0 : i32
    %c0_i32_0 = arith.constant 0 : i32
    return %arg0, %c0_i32 : i32, i32
  }
  func.func @transform_1(%arg0: i32, %arg1: i32, %arg2: i32) -> (i32, i32, i32, i32) {
    %c0_i32 = arith.constant 0 : i32
    %c0_i32_0 = arith.constant 0 : i32
    %c0_i32_1 = arith.constant 0 : i32
    return %arg1, %arg2, %c0_i32, %c0_i32_0 : i32, i32, i32, i32
  }
  func.func @transform_2(%arg0: i32, %arg1: i32, %arg2: i32) -> (i32, i32) {
    %c0_i32 = arith.constant 0 : i32
    %c0_i32_0 = arith.constant 0 : i32
    %c0_i32_1 = arith.constant 0 : i32
    return %c0_i32, %c0_i32_0 : i32, i32
  }
  func.func @transform_3(%arg0: i32, %arg1: i32, %arg2: i32) -> (i32, i32) {
    %mul3A = arith.constant 8 : i32
    %mul3A_0 = arith.muli %arg2, %mul3A : i32
    %mul3A_1 = arith.constant 10 : i32
    %mul3A_2 = arith.muli %mul3A_0, %mul3A_1 : i32
    %mul3A_3 = arith.constant 10 : i32
    %mul3A_4 = arith.muli %arg1, %mul3A_3 : i32
    %add3A = arith.addi %mul3A_2, %mul3A_4 : i32
    %add3A_5 = arith.addi %add3A, %arg0 : i32
    %c0_i32 = arith.constant 0 : i32
    %c0_i32_6 = arith.constant 0 : i32
    return %add3A_5, %c0_i32 : i32, i32
  }
}

module attributes {stable_mosaic.version = 14 : i64} {
  func.func @_combine_body(%arg0: i32, %arg1: memref<2x1000x64xf32, #tpu.memory_space<vmem>>, %arg2: memref<1x128xf32, #tpu.memory_space<vmem>>, %arg3: memref<1000x128xf32, #tpu.memory_space<vmem>>) attributes {dimension_semantics = [#tpu.dimension_semantics<arbitrary>], iteration_bounds = array<i64: 10>, scalar_prefetch = 0 : i64, scratch_operands = 0 : i64, tpu.core_type = #tpu.core_type<tc>, window_params = [{transform_indices = @transform_0, window_bounds = array<i64: 2, 1000, 64>}, {pipeline_mode = #tpu.pipeline_mode<synchronous>, transform_indices = @transform_1, window_bounds = array<i64: 1, 128>}, {transform_indices = @transform_2, window_bounds = array<i64: 1000, 128>}]} {
    %get3A = arith.constant 0 : index
    %get3A_0 = arith.constant 0 : index
    %get3A_1 = arith.constant 0 : index
    %get3A_2 = vector.load %arg1[%get3A, %get3A_0, %get3A_1] : memref<2x1000x64xf32, #tpu.memory_space<vmem>>, vector<1x1000x64xf32>
    %get3A_3 = vector.shape_cast %get3A_2 : vector<1x1000x64xf32> to vector<1000x64xf32>
    %get3A_4 = arith.constant 1 : index
    %get3A_5 = arith.constant 0 : index
    %get3A_6 = arith.constant 0 : index
    %get3A_7 = vector.load %arg1[%get3A_4, %get3A_5, %get3A_6] : memref<2x1000x64xf32, #tpu.memory_space<vmem>>, vector<1x1000x64xf32>
    %get3A_8 = vector.shape_cast %get3A_7 : vector<1x1000x64xf32> to vector<1000x64xf32>
    %concatenate3A = tpu.concatenate %get3A_3, %get3A_8 in 1 : vector<1000x64xf32>, vector<1000x64xf32> -> vector<1000x128xf32>
    %get3A_9 = arith.constant 0 : index
    %get3A_10 = arith.constant 0 : index
    %get3A_11 = vector.load %arg2[%get3A_9, %get3A_10] : memref<1x128xf32, #tpu.memory_space<vmem>>, vector<1x128xf32>
    %add3A = vector.broadcast %get3A_11 : vector<1x128xf32> to vector<1000x128xf32>
    %add3A_12 = arith.addf %concatenate3A, %add3A : vector<1000x128xf32>
    %max3A = arith.constant 0.000000e+00 : f32
    %max3A_13 = vector.broadcast %max3A : f32 to vector<1000x128xf32>
    %max3A_14 = arith.maximumf %add3A_12, %max3A_13 : vector<1000x128xf32>
    %swap3A = arith.constant 0 : index
    %swap3A_15 = arith.constant 0 : index
    %swap3A_16 = vector.load %arg3[%swap3A, %swap3A_15] : memref<1000x128xf32, #tpu.memory_space<vmem>>, vector<1000x128xf32>
    tpu.vector_store %arg3[%swap3A, %swap3A_15], %max3A_14 {strides = array<i32>} : memref<1000x128xf32, #tpu.memory_space<vmem>>, vector<1000x128xf32>,
    return
  }
  func.func @transform_0(%arg0: i32) -> (i32, i32, i32) {
    %c0_i32 = arith.constant 0 : i32
    %c0_i32_0 = arith.constant 0 : i32
    %c0_i32_1 = arith.constant 0 : i32
    return %c0_i32, %arg0, %c0_i32_0 : i32, i32, i32
  }
  func.func @transform_1(%arg0: i32) -> (i32, i32) {
    %c0_i32 = arith.constant 0 : i32
    %c0_i32_0 = arith.constant 0 : i32
    %c0_i32_1 = arith.constant 0 : i32
    return %c0_i32, %c0_i32_0 : i32, i32
  }
  func.func @transform_2(%arg0: i32) -> (i32, i32) {
    %c0_i32 = arith.constant 0 : i32
    %c0_i32_0 = arith.constant 0 : i32
    return %arg0, %c0_i32 : i32, i32
  }
}

</mosaic_0001>

<sc_bundles>
// kernel: kernel.5.cloned.1.call-start
scs
__scs_entry_jumppad:
0x0: {  	(pc) =	sbr.rel $0x88, $3  }
0x1: {  	(tag) =	ssettag $0x0;
	lr =	simm.s32 $0x1  }
0x2: {  	[smem:$0x3F9B] =	sst lr;
	_ =	strace $0xD0000000  }
0x3: {  	_ = 	snop  }
0x4: {  	_ = 	snop  }
0x5: {  	_ = 	snop  }
0x6: {  	_ = 	snop  }
0x7: {  	_ = 	snop  }
__scs_overlays_trampoline_lowered:
0x8: {  	[smem:$0x3FAA] =	sst s0  }
0x9: {  	[smem:$0x3FAB] =	sst s1  }
0xa: {  	[smem:$0x3FAC] =	sst s2  }
0xb: {  	[smem:$0x3FAD] =	sst s3  }
0xc: {  	[smem:$0x3FAE] =	sst s4  }
0xd: {  	[smem:$0x3FAF] =	sst s5  }
0xe: {  	[smem:$0x3FB0] =	sst s6  }
0xf: {  	[smem:$0x3FB1] =	sst s7  }
0x10: {  	[smem:$0x3FB2] =	sst s8  }
0x11: {  	[smem:$0x3FB3] =	sst s9;
	s0 =	simm.s32 @!p0 $0x0  }
0x12: {  	s1 =	sld [smem:$0x3F99];
	s0 =	simm.s32 @p0 $0x1  }
0x13: {  	[smem:$0x3FB4] =	sst s0;
	s0 =	simm.s32 @!p1 $0x0  }
0x14: {  	s2 =	sld [smem:$0x3F98];
	s0 =	simm.s32 @p1 $0x1  }
0x15: {  	[smem:$0x3FB5] =	sst s0;
	s0 =	simm.s32 @!p2 $0x0  }
0x16: {  	s3 =	sld [smem:$0x3FDB];
	s0 =	simm.s32 @p2 $0x1  }
0x17: {  	s4 =	simm.s32 $0x1BF5;
	[smem:$0x3FB7] =	sst s0  }
0x18: {  	s0 =	sld [smem:$0x3F9A];
	_ =	swait.ge [sflag:s4], $0x0  }
0x19: {  	s7 =	sld [smem:$0x3F9B]  }
0x1a: {  	s8 =	sadd.s32 $0xFFFFE003, lr  }
0x1b: {  	s9 =	sadd.s32 $0xFFFFFEF7, lr;
	s5 =	simm.s32 $0xFFFFFFFF;
	p2 =	slt.u32 s8, $0xFFFFF086  }
0x1c: {  	p1 =	slt.u32 s9, $0xF7A;
	s5 =	simm.s32 @!p2 $0x0  }
0x1d: {  	s5 =	simm.s32 @p1 $0x1;
	p0 =	seq.s32 s7, s2  }
0x1e: {  	s7 =	smul.u32 @!p0 $0xF7A, s2;
	p2 =	seq.s32 @!p0 s5, $0x0  }
0x1f: {  	s9 =	smul.u32 $0xF7A, s1;
	s8 =	simm.s32 @!p0 $0x1BF5;
	p2 =	por !p2, p0  }
0x20: {  	[sflag:s8] =	ssyncset.s32 @!p0 $0xFFFFF086;
	s6 =	sadd.s32 @!p0 s3, s7;
	s7 =	simm.s32 @!p0 $0x108  }
0x21: {  	s3 =	sadd.s32 s3, s9;
	s6 =	sadd.s32 @!p0 $0x88, s6;
	s7 =	simm.s32 @p2 $0x1082  }
0x22: {  	[simem:s7], [sflag:s8] =	dma.local @!p0 [hbm:s6], $0xF7A  }
0x23: {  	s9 =	sor.u32 $0xD0000000, s2;
	s6 =	simm.s32 $0x108;
	_ =	swait.ge @!p0 [sflag:s8], $0x0  }
0x24: {  	s3 =	sadd.s32 $0x88, s3;
	s6 =	simm.s32 @!p1 $0x1082;
	[sflag:s4] =	ssyncset.s32 $0xFFFFF086  }
0x25: {  	[simem:s6], [sflag:s4] =	dma.local [hbm:s3], $0xF7A  }
0x26: {  	[smem:$0x3F9B] =	sst s1;
	(tag) =	ssettag s2;
	_ =	strace s9  }
0x27: {  	s1 =	sld [smem:$0x3FAB]  }
0x28: {  	s2 =	sld [smem:$0x3FAC]  }
0x29: {  	s4 =	sld [smem:$0x3FAE]  }
0x2a: {  	p0 =	seq.s32 s5, $0x0;
	s5 =	sld [smem:$0x3FAF]  }
0x2b: {  	s6 =	sld [smem:$0x3FB0]  }
0x2c: {  	s7 =	sld [smem:$0x3FB1]  }
0x2d: {  	s3 =	simm.s32 $0x108;
	s8 =	sld [smem:$0x3FB2]  }
0x2e: {  	s3 =	simm.s32 @!p0 $0x1082;
	s9 =	sld [smem:$0x3FB3]  }
0x2f: {  	lr =	sadd.s32 s0, s3;
	s0 =	sld [smem:$0x3FAA]  }
0x30: {  	s3 =	sld [smem:$0x3FAD]  }
0x31: {  	[smem:$0x3FB6] =	sst s10  }
0x32: {  	s10 =	sld [smem:$0x3FB4];
	_ =	sdelay $0x3  }
0x33: {  	p0 =	seq.s32 s10, $0x1;
	s10 =	sld [smem:$0x3FB6];
	_ =	sdelay $0x3  }
0x34: {  	[smem:$0x3FB6] =	sst s10  }
0x35: {  	s10 =	sld [smem:$0x3FB5];
	_ =	sdelay $0x3  }
0x36: {  	p1 =	seq.s32 s10, $0x1;
	s10 =	sld [smem:$0x3FB6];
	_ =	sdelay $0x3  }
0x37: {  	[smem:$0x3FB6] =	sst s10  }
0x38: {  	s10 =	sld [smem:$0x3FB7]  }
0x39: {  	_ = 	snop;
	(pc) =	sbr.ind lr, $3  }
0x3a: {  	_ = 	snop  }
0x3b: {  	_ = 	snop  }
0x3c: {  	p2 =	seq.s32 s10, $0x1;
	s10 =	sld [smem:$0x3FB6]  }
0x3d: {  	_ =	shalt  }
0x3e: {  	_ =	shalt  }
0x3f: {  	_ =	shalt  }
0x40: {  	_ =	shalt  }
0x41: {  	_ =	shalt  }
0x42: {  	_ =	shalt  }
0x43: {  	_ =	shalt  }
0x44: {  	_ =	shalt  }
0x45: {  	_ =	shalt  }
0x46: {  	_ =	shalt  }
0x47: {  	_ =	shalt  }
0x48: {  	_ =	shalt  }
0x49: {  	_ =	shalt  }
0x4a: {  	_ =	shalt  }
0x4b: {  	_ =	shalt  }
0x4c: {  	_ =	shalt  }
0x4d: {  	_ =	shalt  }
0x4e: {  	_ =	shalt  }
0x4f: {  	_ =	shalt  }
0x50: {  	_ =	shalt  }
0x51: {  	_ =	shalt  }
0x52: {  	_ =	shalt  }
0x53: {  	_ =	shalt  }
0x54: {  	_ =	shalt  }
0x55: {  	_ =	shalt  }
0x56: {  	_ =	shalt  }
0x57: {  	_ =	shalt  }
0x58: {  	_ =	shalt  }
0x59: {  	_ =	shalt  }
0x5a: {  	_ =	shalt  }
0x5b: {  	_ =	shalt  }
0x5c: {  	_ =	shalt  }
0x5d: {  	_ =	shalt  }
0x5e: {  	_ =	shalt  }
0x5f: {  	_ =	shalt  }
0x60: {  	_ =	shalt  }
0x61: {  	_ =	shalt  }
0x62: {  	_ =	shalt  }
0x63: {  	_ =	shalt  }
0x64: {  	_ =	shalt  }
0x65: {  	_ =	shalt  }
0x66: {  	_ =	shalt  }
0x67: {  	_ =	shalt  }
0x68: {  	_ =	shalt  }
0x69: {  	_ =	shalt  }
0x6a: {  	_ =	shalt  }
0x6b: {  	_ =	shalt  }
0x6c: {  	_ =	shalt  }
0x6d: {  	_ =	shalt  }
0x6e: {  	_ =	shalt  }
0x6f: {  	_ =	shalt  }
0x70: {  	_ =	shalt  }
0x71: {  	_ =	shalt  }
0x72: {  	_ =	shalt  }
0x73: {  	_ =	shalt  }
0x74: {  	_ =	shalt  }
0x75: {  	_ =	shalt  }
0x76: {  	_ =	shalt  }
0x77: {  	_ =	shalt  }
0x78: {  	_ =	shalt  }
0x79: {  	_ =	shalt  }
0x7a: {  	_ =	shalt  }
0x7b: {  	_ =	shalt  }
0x7c: {  	_ =	shalt  }
0x7d: {  	_ =	shalt  }
0x7e: {  	_ =	shalt  }
0x7f: {  	_ =	shalt  }
0x80: {  	_ =	shalt  }
0x81: {  	_ =	shalt  }
0x82: {  	_ =	shalt  }
0x83: {  	_ =	shalt  }
0x84: {  	_ =	shalt  }
0x85: {  	_ =	shalt  }
0x86: {  	_ =	shalt  }
0x87: {  	_ =	shalt  }
.Lfunc_end0:
.L_simem_size_0:
called_computation_lowered:
.L_overlay_start_0:
0x88: {  	s2 =	sld [smem:$0x3FD9]  }
0x89: {  	s3 =	sld [smem:$0x3FFE];
	_ =	sdelay $0x1  }
0x8a: {  	s1 =	srdreg.scid  }
0x8b: {  	s0 =	sand.u32 $0x1, s1  }
0x8c: {  	s17 =	sshll.u32 s0, $0xA;
	s2 =	sadd.s32 s3, s2  }
0x8d: {  	s2 =	sadd.s32 s2, s17  }
0x8e: {  	[smem:$0x3FC2] =	sst s2  }
0x8f: {  	_ = 	snop  }
0x90: {  	s2 =	sld [smem:$0x3FC7]  }
0x91: {  	s18 =	sld [smem:$0x3FD0];
	(tm) =	ssettm $0x1  }
0x92: {  	s4 =	sld [smem:$0x3FFB];
	_ =	sdelay $0x3  }
0x93: {  	_ =	strace s4  }
0x94: {  	s4 =	sld [smem:$0x3FFC];
	_ =	sdelay $0x3  }
0x95: {  	_ =	strace s4  }
0x96: {  	s4 =	sld [smem:$0x3FFD];
	_ =	sdelay $0x3  }
0x97: {  	_ =	strace s4  }
0x98: {  	_ =	strace $0x8FFFFFFF  }
0x99: {  	s19 =	sld [smem:$0x3FDB];
	_ =	sdelay $0x1  }
0x9a: {  	s5 =	simm.s32 $_scs_section_size  }
0x9b: {  	s6 =	simm.s32 $_size__tile_overlayer_lowered;
	s7 =	simm.s32 $_tile_overlayer_lowered  }
0x9c: {  	s22 =	simm.s32 $0x1BFF;
	s21 =	sshll.u32 s7, $0x1;
	s4 =	sadd.s32 s5, s19  }
0x9d: {  	s8 =	simm.s32 $0x0;
	s20 =	sshll.u32 s6, $0x1;
	s6 =	sadd.s32 s21, s4  }
0x9e: {  	[timem:s8], [sflag:s22] =	dma.local [hbm:s6], s20  }
0x9f: {  	_ =	swait.ge [sflag:s22], s20  }
0xa0: {  	s5 =	ssub.s32 $0x0, s20;
	[sflag:s22] =	ssyncset.done $0x0  }
0xa1: {  	[sflag:s22] =	ssyncadd.s32 s5;
	_ =	sdelay $0x1  }
0xa2: {  	s23 =	simm.s32 $0x1B8B  }
0xa3: {  	_ =	swait.ge [sflag:s23], $0x1  }
0xa4: {  	[sflag:s23] =	ssyncset.done $0x0  }
0xa5: {  	s25 =	simm.s32 $0x1B8E;
	s24 =	sld [smem:$0x3FFE];
	[sflag:s23] =	ssyncadd.s32 $0xFFFFFFFF  }
0xa6: {  	s26 =	simm.s32 $execute0_lowered;
	[smem:$0x3FD2] =	sst s25  }
0xa7: {  	s6 =	sshll.u32 s26, $0x1;
	_ =	strace $0x80000046;
	[dreg:$0x1] =	wrdreg $0xFFFFFFFF  }
0xa8: {  	s28 =	simm.s32 $_size_execute0_lowered;
	s4 =	sadd.s32 s4, s6;
	[dreg:$0x0] =	wrdreg $0x0  }
0xa9: {  	s6 =	sshll.u32 s28, $0x1;
	[dreg:$0x2] =	wrdreg s4  }
0xaa: {  	[dreg:$0x3] =	wrdreg s6  }
0xab: {  	[dreg:$0x4] =	wrdreg $0xC0  }
0xac: {  	_ =	task [dreg:s8], $0x5FFFF  }
0xad: {  	[dreg:$0x1] =	wrdreg $0xFFFFFFFF  }
0xae: {  	[dreg:$0x0] =	wrdreg $0x60  }
0xaf: {  	[dreg:$0x2] =	wrdreg s24  }
0xb0: {  	[dreg:$0x3] =	wrdreg s2  }
0xb1: {  	[dreg:$0x4] =	wrdreg s18  }
0xb2: {  	[dreg:$0x5] =	wrdreg $0xD0400  }
0xb3: {  	[dreg:$0x6] =	wrdreg $0x9  }
0xb4: {  	_ =	task.clear_ibuf [dreg:s8], $0x7FFFF;
	_ =	strace $0x90000046  }
0xb5: {  	s29 =	simm.s32 $0x9;
	_ =	strace $0x80000048  }
0xb6: {  	_ =	swait.ge [sflag:s29], $0x1  }
0xb7: {  	[sflag:s29] =	ssyncadd.s32 $0xFFFFFFFF  }
0xb8: {  	_ =	strace $0x90000048  }
0xb9: {  	_ =	sfence  }
0xba: {  	s30 =	sld [smem:$0x0];
	_ =	sdelay $0x2  }
0xbb: {  	s31 =	sshll.u32 s1, $0xD;
	s1 =	sshrl.u32 s1, $0x2  }
0xbc: {  	s3 =	sand.u32 $0x4000, s31;
	s1 =	sadd.s32 s1, s30  }
0xbd: {  	s0 =	sor.u32 s3, s0;
	s1 =	sshll.u32 s1, $0x11  }
0xbe: {  	s0 =	sor.u32 s1, s0  }
0xbf: {  	s0 =	sadd.s32 $0x8F2B, s0  }
0xc0: {  	[sflag:s0] =	ssyncadd.remote.s32 $0x1  }
0xc1: {  	_ =	sfence.sel $0xFFFF  }
0xc2: {  	[dreg:$0x0] =	wrdreg $0xFFFFFFFF;
	(pc) =	sbr.abs _section_cstart, $3  }
0xc3: {  	[dreg:$0x1] =	wrdreg $0xFFFFFFFF  }
0xc4: {  	_ =	task.clear_ibuf [dreg:s8], $0x2FFFF;
	_ =	strace $0x9FFFFFFF  }
0xc5: {  	(tm) =	ssettm $0x7FFFFFFF  }
tec
execute0_lowered:
.L_overlay_start_1:
0x0: {  	(tag) =	ssettag $0x1  }
0x1: {  	s5 =	rddreg [dreg:$0x0]  }
0x2: {  	s6 =	rddreg [dreg:$0x1]  }
0x3: {  	s7 =	rddreg [dreg:$0x2]  }
0x4: {  	s2 =	rddreg [dreg:$0x3]  }
0x5: {  	s0 =	rddreg [dreg:$0x4]  }
0x6: {  	s3 =	simm.s32 $0x0;
	s1 =	stileid.u32;
	s4 =	srdreg.scid  }
0x7: {  	s22 =	simm.s32 $0x50;
	s24 =	simm.s32 $0x1;
	s25 =	simm.s32 $0x0  }
0x8: {  	[smem:$0x7FF] =	sst s3;
	s8 =	smul.u32 $0x9C4, s1;
	s9 =	sand.u32 $0x1, s4  }
0x9: {  	s4 =	sadd.s32 $0x271400, s5;
	s17 =	sadd.s32 $0xA200, s5;
	s12 =	smul.u32 $0xA000, s1  }
0xa: {  	_ =	strace $0x80000047;
	s10 =	ssub.s32 $0x2, s9;
	s23 =	smul.u32 $0x13880, s9  }
0xb: {  	s15 =	smul.u32 $0xA0000, s9;
	s11 =	sadd.s32 s8, s5;
	s29 =	sshrl.u32 s10, $0x1  }
0xc: {  	s5 =	sadd.s32 s6, s8;
	s7 =	sadd.s32 s7, s8;
	s8 =	sadd.s32 s12, s2  }
0xd: {  	s13 =	sadd.s32 $0x2000, s12;
	s16 =	sadd.s32 $0x4000, s12;
	s19 =	sadd.s32 $0x6000, s12  }
0xe: {  	s20 =	sadd.s32 $0x8000, s12;
	s18 =	ssub.s32 s10, s29;
	s6 =	sadd.s32 $0x400, s11  }
0xf: {  	s9 =	sadd.s32 s13, s2;
	s10 =	sadd.s32 s16, s2;
	s11 =	sadd.s32 s19, s2  }
0x10: {  	s14 =	sadd.s32 s12, s15;
	s21 =	sadd.s32 s15, s13;
	s12 =	sadd.s32 s20, s2  }
0x11: {  	s16 =	sadd.s32 s15, s16;
	s19 =	sadd.s32 s15, s19;
	s20 =	sadd.s32 s15, s20  }
0x12: {  	v0 =	vmov s23;
	s23 =	simm.s32 $0x9C40;
	s14 =	sshrl.u32 s14, $0x3;
	s30 =	sshrl.u32 s21, $0x3  }
0x13: {  	s16 =	sshrl.u32 s16, $0x3;
	s19 =	sshrl.u32 s19, $0x3;
	s31 =	sshrl.u32 s20, $0x3  }
0x14: {  	s18 =	smax.u32 s18, $0x1;
	s20 =	simm.s32 $0x4E20;
	s21 =	simm.s32 $0xB040  }
0x15: {  	s13 =	sadd.s32 s17, s14;
	s14 =	sadd.s32 s17, s30;
	s15 =	sadd.s32 s17, s16  }
0x16: {  	v1 =	vimm.f32 $0.0e+00;
	s16 =	sadd.s32 s17, s19;
	s17 =	sadd.s32 s17, s31;
	s19 =	simm.s32 $0x2  }
.LBB2_1:
0x17: {  	[tilespmem:s3], [sflag:$0x2] =	stream.linear.gather [hbm4b:s5+s3], $0x4E20, $0x38;
	[tilespmem:$0x17040] =	vst v63  }
0x18: {  	_ =	swait.ge [sflag:s19], $0x4E20  }
0x19: {  	[sflag:s19] =	ssyncset.done $0x0  }
0x1a: {  	[sflag:s19] =	ssyncadd.s32 $0xFFFFB1E0  }
0x1b: {  	[tilespmem:s20], [sflag:$0x2] =	stream.linear.gather [hbm4b:s6+s3], $0x4E20, $0x38;
	[tilespmem:$0x17040] =	vst v63  }
0x1c: {  	_ =	swait.ge [sflag:s19], $0x4E20  }
0x1d: {  	[sflag:s19] =	ssyncset.done $0x0  }
0x1e: {  	s26 =	simm.s32 $0x0;
	[sflag:s19] =	ssyncadd.s32 $0xFFFFB1E0  }
0x1f: {  	v5 =	vld [tilespmem:s26+$0x4E20]  }
0x20: {  	v4 =	vld [tilespmem:s26+$0x4E30]  }
0x21: {  	v3 =	vld [tilespmem:s26+$0x4E40]  }
0x22: {  	v2 =	vld [tilespmem:s26+$0x4E50]  }
0x23: {  	v9 =	vld [tilespmem:s26+$0x0]  }
0x24: {  	v8 =	vld [tilespmem:s26+$0x10]  }
0x25: {  	v7 =	vld [tilespmem:s26+$0x20]  }
0x26: {  	s28 =	simm.s32 $0x140;
	v6 =	vld [tilespmem:s26+$0x30]  }
.LBB2_2:
0x27: {  	p0 =	sne.s32 s28, $0x13740;
	v10 =	vld [tilespmem:s26+$0x40]  }
0x28: {  	s29 =	sshra.s32 s28, $0x2;
	v9 =	vmul.u32 $0x2710, v9;
	v11 =	vld [tilespmem:s26+$0x4E60]  }
0x29: {  	v12 =	vadd.s32 v0, v5;
	v5 =	vld [tilespmem:s29+$0x4E20];
	v8 =	vmul.u32 $0x2710, v8  }
0x2a: {  	v9 =	vadd.s32 v9, v12;
	v12 =	vadd.s32 v0, v4;
	v4 =	vld [tilespmem:s29+$0x4E30];
	v7 =	vmul.u32 $0x2710, v7  }
0x2b: {  	[tilespmem:s26+$0x0] =	vst v9;
	v8 =	vadd.s32 v8, v12;
	v9 =	vadd.s32 v0, v3;
	v3 =	vld [tilespmem:s29+$0x4E40];
	v6 =	vmul.u32 $0x2710, v6  }
.Ltmp0:
0x2c: {  	[tilespmem:s26+$0x10] =	vst v8;
	v7 =	vadd.s32 v7, v9;
	v8 =	vadd.s32 v0, v2;
	v2 =	vld [tilespmem:s29+$0x4E50];
	v10 =	vmul.u32 $0x2710, v10;
	(pc) =	sbr.rel @p0 .LBB2_2-.Ltmp0, $4  }
0x2d: {  	v9 =	vld [tilespmem:s29+$0x0];
	[tilespmem:s26+$0x20] =	vst v7;
	v6 =	vadd.s32 v6, v8;
	v7 =	vadd.s32 v0, v11  }
0x2e: {  	v8 =	vld [tilespmem:s29+$0x10];
	[tilespmem:s26+$0x30] =	vst v6;
	v6 =	vadd.s32 v10, v7  }
0x2f: {  	v7 =	vld [tilespmem:s29+$0x20];
	[tilespmem:s26+$0x40] =	vst v6;
	s26 =	smov.u32 s29  }
0x30: {  	s28 =	sadd.s32 $0x140, s28;
	v6 =	vld [tilespmem:s26+$0x30]  }
0x31: {  	v10 =	vld [tilespmem:s26+$0x40]  }
0x32: {  	v11 =	vld [tilespmem:s26+$0x4E60];
	v9 =	vmul.u32 $0x2710, v9  }
0x33: {  	v5 =	vadd.s32 v0, v5;
	v8 =	vmul.u32 $0x2710, v8  }
0x34: {  	v4 =	vadd.s32 v0, v4;
	v5 =	vadd.s32 v9, v5;
	v7 =	vmul.u32 $0x2710, v7  }
0x35: {  	v3 =	vadd.s32 v0, v3;
	[tilespmem:s26+$0x0] =	vst v5;
	v4 =	vadd.s32 v8, v4;
	v62 =	vmul.u32 $0x2710, v6  }
0x36: {  	v2 =	vadd.s32 v0, v2;
	[tilespmem:s26+$0x10] =	vst v4;
	v3 =	vadd.s32 v7, v3;
	v63 =	vmul.u32 $0x2710, v10  }
0x37: {  	[tilespmem:s26+$0x20] =	vst v3;
	v2 =	vadd.s32 v62, v2;
	v3 =	vadd.s32 v0, v11  }
0x38: {  	[tilespmem:s26+$0x30] =	vst v2;
	v2 =	vadd.s32 v63, v3  }
0x39: {  	s31 =	simm.s32 $0x0;
	[tilespmem:s26+$0x40] =	vst v2  }
0x3a: {  	[tilespmem:s20], [sflag:$0x2] =	stream.linear.gather [hbm4b:s7+s31], $0x4E20, $0x38;
	[tilespmem:$0x17040] =	vst v63  }
0x3b: {  	_ =	swait.ge [sflag:s19], $0x4E20  }
0x3c: {  	[sflag:s19] =	ssyncset.done $0x0  }
0x3d: {  	s28 =	simm.s32 $0x100;
	s26 =	simm.s32 $0x0;
	[sflag:s19] =	ssyncadd.s32 $0xFFFFB1E0  }
.LBB2_4:
0x3e: {  	p0 =	sne.s32 s28, $0x7F00;
	[tilespmem:s26+$0xB070] =	vst v1;
	s29 =	smov.u32 s28;
	s28 =	sadd.s32 $0x100, s28  }
.Ltmp1:
0x3f: {  	[tilespmem:s26+$0xB060] =	vst v1;
	(pc) =	sbr.rel @p0 .LBB2_4-.Ltmp1, $3  }
0x40: {  	[tilespmem:s26+$0xB040] =	vst v1  }
0x41: {  	[tilespmem:s26+$0xB050] =	vst v1;
	_ =	sdelay $0x1  }
0x42: {  	s26 =	sshra.s32 s29, $0x2  }
0x43: {  	[tilespmem:s26+$0xB070] =	vst v1  }
0x44: {  	[tilespmem:s26+$0xB060] =	vst v1  }
0x45: {  	[tilespmem:s26+$0xB040] =	vst v1  }
0x46: {  	[tilespmem:s26+$0xB050] =	vst v1  }
0x47: {  	[spmem:s8] =	stream.linear.scatter [tilespmem:s21], [sflag:$0x2], $0x2000, $0x38;
	[tilespmem:$0x17040] =	vst v63  }
0x48: {  	_ =	swait.ge [sflag:s19], $0x2000  }
0x49: {  	[sflag:s19] =	ssyncset.done $0x0  }
0x4a: {  	[sflag:s19] =	ssyncadd.s32 $0xFFFFE000  }
0x4b: {  	[spmem:s9] =	stream.linear.scatter [tilespmem:s21], [sflag:$0x2], $0x2000, $0x38;
	[tilespmem:$0x17040] =	vst v63  }
0x4c: {  	_ =	swait.ge [sflag:s19], $0x2000  }
0x4d: {  	[sflag:s19] =	ssyncset.done $0x0  }
0x4e: {  	[sflag:s19] =	ssyncadd.s32 $0xFFFFE000  }
0x4f: {  	[spmem:s10] =	stream.linear.scatter [tilespmem:s21], [sflag:$0x2], $0x2000, $0x38;
	[tilespmem:$0x17040] =	vst v63  }
0x50: {  	_ =	swait.ge [sflag:s19], $0x2000  }
0x51: {  	[sflag:s19] =	ssyncset.done $0x0  }
0x52: {  	[sflag:s19] =	ssyncadd.s32 $0xFFFFE000  }
0x53: {  	[spmem:s11] =	stream.linear.scatter [tilespmem:s21], [sflag:$0x2], $0x2000, $0x38;
	[tilespmem:$0x17040] =	vst v63  }
0x54: {  	_ =	swait.ge [sflag:s19], $0x2000  }
0x55: {  	[sflag:s19] =	ssyncset.done $0x0  }
0x56: {  	[sflag:s19] =	ssyncadd.s32 $0xFFFFE000  }
0x57: {  	[spmem:s12] =	stream.linear.scatter [tilespmem:s21], [sflag:$0x2], $0x2000, $0x38;
	[tilespmem:$0x17040] =	vst v63  }
0x58: {  	_ =	swait.ge [sflag:s19], $0x2000  }
0x59: {  	[sflag:s19] =	ssyncset.done $0x0  }
0x5a: {  	[sflag:s19] =	ssyncadd.s32 $0xFFFFE000  }
0x5b: {  	s30 =	simm.s32 $0x0;
	[bflag:$0x0] =	sbarrier.arrive $0xFFFF  }
0x5c: {  	[tilespmem:s23], [sflag:$0x1] =	stream.indirect.gather [hbm4b:s4+s22], $0x40, s30, s22, $0xb8;
	[tilespmem:$0x17040] =	vst v63  }
0x5d: {  	_ =	swait.ge [sflag:s24], $0x1400  }
0x5e: {  	[sflag:s24] =	ssyncset.done $0x0  }
0x5f: {  	s31 =	simm.s32 $0x4E20;
	[sflag:s24] =	ssyncadd.s32 $0xFFFFEC00  }
0x60: {  	[spmem:s2] =	stream.indirect.scatter.add.f32 [tilespmem:s23], [sflag:$0x2], $0x40, s31, s22, $0xb8;
	[tilespmem:$0x17040] =	vst v63  }
0x61: {  	_ =	swait.ge [sflag:s19], $0x1400  }
0x62: {  	s26 =	simm.s32 $0x140;
	s28 =	simm.s32 $0x280;
	[sflag:s19] =	ssyncset.done $0x0  }
.LBB2_6:
0x63: {  	s29 =	sshra.s32 s26, $0x2  }
0x64: {  	[sflag:s19] =	ssyncadd.s32 $0xFFFFEC00;
	s26 =	smov.u32 s28;
	s30 =	sadd.s32 $0x140, s28  }
0x65: {  	[tilespmem:s23], [sflag:$0x1] =	stream.indirect.gather [hbm4b:s4+s22], $0x40, s29, s22, $0xb8;
	[tilespmem:$0x17040] =	vst v63  }
0x66: {  	p0 =	sne.s32 s28, $0x13740;
	_ =	swait.ge [sflag:s24], $0x1400  }
.Ltmp2:
0x67: {  	[sflag:s24] =	ssyncset.done $0x0;
	(pc) =	sbr.rel @p0 .LBB2_6-.Ltmp2, $4  }
0x68: {  	s28 =	sadd.s32 $0x4E20, s29;
	[sflag:s24] =	ssyncadd.s32 $0xFFFFEC00  }
0x69: {  	[spmem:s2] =	stream.indirect.scatter.add.f32 [tilespmem:s23], [sflag:$0x2], $0x40, s28, s22, $0xb8;
	[tilespmem:$0x17040] =	vst v63  }
0x6a: {  	_ =	swait.ge [sflag:s19], $0x1400  }
0x6b: {  	s28 =	smov.u32 s30;
	[sflag:s19] =	ssyncset.done $0x0  }
0x6c: {  	s26 =	sshra.s32 s26, $0x2;
	[sflag:s19] =	ssyncadd.s32 $0xFFFFEC00  }
0x6d: {  	[tilespmem:s23], [sflag:$0x1] =	stream.indirect.gather [hbm4b:s4+s22], $0x40, s26, s22, $0xb8;
	[tilespmem:$0x17040] =	vst v63  }
0x6e: {  	_ =	swait.ge [sflag:s24], $0x1400  }
0x6f: {  	[sflag:s24] =	ssyncset.done $0x0  }
0x70: {  	s26 =	sadd.s32 $0x4E20, s26;
	[sflag:s24] =	ssyncadd.s32 $0xFFFFEC00  }
0x71: {  	[spmem:s2] =	stream.indirect.scatter.add.f32 [tilespmem:s23], [sflag:$0x2], $0x40, s26, s22, $0xb8;
	[tilespmem:$0x17040] =	vst v63  }
0x72: {  	_ =	swait.ge [sflag:s19], $0x1400  }
0x73: {  	[sflag:s19] =	ssyncset.done $0x0  }
0x74: {  	s30 =	sshll.u32 s1, $0x6;
	[sflag:s19] =	ssyncadd.s32 $0xFFFFEC00  }
0x75: {  	s28 =	sshrl.u32 s8, $0x3;
	s26 =	sor.u32 $0x1C02, s30;
	[bflag:$0x0] =	sbarrier.arrive $0xFFFF  }
0x76: {  	[hbm:s13], [sflag:s26] =	dma.local [spmem:s28], $0x400  }
0x77: {  	_ =	swait.ge [sflag:s19], $0x400  }
0x78: {  	[sflag:s19] =	ssyncset.done $0x0  }
0x79: {  	s31 =	sshrl.u32 s9, $0x3;
	[sflag:s19] =	ssyncadd.s32 $0xFFFFFC00  }
0x7a: {  	[hbm:s14], [sflag:s26] =	dma.local [spmem:s31], $0x400  }
0x7b: {  	_ =	swait.ge [sflag:s19], $0x400  }
0x7c: {  	[sflag:s19] =	ssyncset.done $0x0  }
0x7d: {  	s29 =	sshrl.u32 s10, $0x3;
	[sflag:s19] =	ssyncadd.s32 $0xFFFFFC00  }
0x7e: {  	[hbm:s15], [sflag:s26] =	dma.local [spmem:s29], $0x400  }
0x7f: {  	_ =	swait.ge [sflag:s19], $0x400  }
0x80: {  	[sflag:s19] =	ssyncset.done $0x0  }
0x81: {  	s30 =	sshrl.u32 s11, $0x3;
	[sflag:s19] =	ssyncadd.s32 $0xFFFFFC00  }
0x82: {  	[hbm:s16], [sflag:s26] =	dma.local [spmem:s30], $0x400  }
0x83: {  	s25 =	sadd.s32 $0x1, s25;
	_ =	swait.ge [sflag:s19], $0x400  }
0x84: {  	p0 =	sne.s32 s25, s18;
	[sflag:s19] =	ssyncset.done $0x0  }
.Ltmp3:
0x85: {  	s31 =	sshrl.u32 s12, $0x3;
	[sflag:s19] =	ssyncadd.s32 $0xFFFFFC00;
	(pc) =	sbr.rel @p0 .LBB2_1-.Ltmp3, $4  }
0x86: {  	[hbm:s17], [sflag:s26] =	dma.local [spmem:s31], $0x400  }
0x87: {  	_ =	swait.ge [sflag:s19], $0x400  }
0x88: {  	[sflag:s19] =	ssyncset.done $0x0  }
0x89: {  	[sflag:s19] =	ssyncadd.s32 $0xFFFFFC00  }
0x8a: {  	_ =	sfence.sel $0x180000  }
0x8b: {  	[bflag:$0x0] =	sbarrier.arrive $0xFFFF  }
0x8c: {  	p0 =	sne.s32 s1, $0x0;
	_ =	strace $0x90000047  }
0x8d: {  	s0 =	sadd.s32 @!p0 $0x100000, s0;
	[bflag:$0x2] =	sbarrier.arrive $0xFFFF  }
0x8e: {  	[sflag:s0] =	ssyncadd.tile.s32 @!p0 $0x1;
	_ =	shalt  }
.Lfunc_end2:
_tile_overlayer_lowered:
.L_overlay_start_2:
0x8f: {  	(tag) =	ssettag $0x2  }
0x90: {  	s0 =	rddreg [dreg:$0x0];
	s2 =	stileid.u32  }
0x91: {  	s1 =	rddreg [dreg:$0x1];
	p0 =	sne.s32 s2, $0x0  }
0x92: {  	s3 =	rddreg [dreg:$0x2];
	[bflag:$0x3] =	sbarrier.arrive $0xFFFF;
	s2 =	simm.s32 @!p0 $0x1C02  }
0x93: {  	[timem:s3], [sflag:s2] =	dma.local @!p0 [hbm:s0], s1  }
0x94: {  	s0 =	simm.s32 @!p0 $0x2  }
0x95: {  	_ =	swait.ge @!p0 [sflag:s0], s1  }
0x96: {  	s1 =	ssub.s32 @!p0 $0x0, s1;
	[sflag:s0] =	ssyncset.done @!p0 $0x0  }
0x97: {  	[sflag:s0] =	ssyncadd.s32 @!p0 s1  }
0x98: {  	[bflag:$0x3] =	sbarrier.arrive $0xFFFF  }
0x99: {  	_ =	shalt  }

</sc_bundles>
